<compile_context>
chip_gen: v7x
topology: tpu7x:2x2x1
jax: 0.10.2.dev20260603
libtpu: 0.0.44.dev20260713+nightly
codegen_flags: <defaults>
</compile_context>

<pallas_src>
import functools

import jax
import jax.numpy as jnp
from jax import lax
from jax.experimental import pallas as pl
from jax.experimental.pallas import tpu as pltpu
from jax.experimental.pallas import tpu_sc as plsc

_E = 16
_CAP_FACTOR = 1.25
_NW = 16


def _logits_block(x_ref, w_ref, o_ref):
    o_ref[...] = jax.lax.dot_general(
        x_ref[...], w_ref[...], (((1,), (1,)), ((), ())),
        preferred_element_type=jnp.float32)


_GDN = jax.lax.GatherDimensionNumbers(
    offset_dims=(), collapsed_slice_dims=(0,), start_index_map=(0,))


def _gather16(v, p):
    return jax.lax.gather(
        v, p[:, None], _GDN, (1,),
        mode=jax.lax.GatherScatterMode.PROMISE_IN_BOUNDS)


def _mk_butterfly(idx):
    perms = [(idx + k) & (_E - 1) for k in (1, 2, 4, 8)]

    def red(v, op):
        for p in perms:
            v = op(v, _gather16(v, p))
        return v

    return red


def _sc_router(logits_hbm, cw0_hbm, cw1_hbm, scal_hbm,
               lbuf, pos0, pos1, cw0b, cw1b, statb, allb, shared,
               *, ch, n_tokens, capacity):
    wid = lax.axis_index("s")
    base = wid * ch
    idx = lax.iota(jnp.int32, _E)
    red = _mk_butterfly(idx)

    pltpu.sync_copy(logits_hbm.at[pl.ds(base, ch)], lbuf)

    def body_a(t, carry):
        c1, c2, gs, zv = carry
        l = lbuf[t]
        zv = zv + l * l
        m = red(l, jnp.maximum)
        e = jnp.exp(l - m)
        s = red(e, jnp.add)
        i1 = red(jnp.where(l == m, idx, _E), jnp.minimum)
        oh1 = idx == i1
        mk = jnp.where(oh1, -jnp.float32(3.4e38), l)
        m2 = red(mk, jnp.maximum)
        i2 = red(jnp.where(mk == m2, idx, _E), jnp.minimum)
        oh2 = idx == i2
        v1 = 1.0 / s
        v2 = jnp.exp(m2 - m) / s
        oh1f = jnp.where(oh1, 1.0, 0.0)
        oh2f = jnp.where(oh2, 1.0, 0.0)
        pos0[t] = jnp.where(oh1, c1, 1e9)
        pos1[t] = jnp.where(oh2, c2, 1e9)
        cw0b[t] = oh1f * v1
        cw1b[t] = oh2f * jnp.maximum(v2, 1e-30)
        return (c1 + oh1f, c2 + oh2f, gs + e / s, zv)

    zeros = jnp.zeros((_E,), jnp.float32)
    c1, c2, gs, zv = lax.fori_loop(0, ch, body_a, (zeros, zeros, zeros, zeros))

    statb[0] = c1
    statb[1] = c2
    statb[2] = gs
    statb[3] = zv
    pltpu.sync_copy(statb, shared.at[pl.ds(wid * 4, 4)])
    plsc.subcore_barrier()
    pltpu.sync_copy(shared, allb)

    def body_off(w, carry):
        o1, o2, t1, gt, zt = carry
        take = jnp.where(w < wid, 1.0, 0.0)
        r1 = allb[w * 4]
        r2 = allb[w * 4 + 1]
        o1 = o1 + r1 * take
        o2 = o2 + r2 * take
        return (o1, o2, t1 + r1, gt + allb[w * 4 + 2], zt + allb[w * 4 + 3])

    o1, o2, t1, gt, zt = lax.fori_loop(
        0, _NW, body_off, (zeros, zeros, zeros, zeros, zeros))

    cap = jnp.float32(capacity)

    def body_b(t, _):
        k0 = (pos0[t] + o1) < cap
        k1 = (pos1[t] + o2) < cap
        cw0b[t] = jnp.where(k0, cw0b[t], 0.0)
        cw1b[t] = jnp.where(k1, cw1b[t], 0.0)
        return 0

    lax.fori_loop(0, ch, body_b, 0)

    pltpu.sync_copy(cw0b, cw0_hbm.at[pl.ds(base, ch)])
    pltpu.sync_copy(cw1b, cw1_hbm.at[pl.ds(base, ch)])

    n_f = jnp.float32(n_tokens)
    aux = _E * red((gt / n_f) * (t1 / n_f), jnp.add)
    z = red(zt, jnp.add) / (n_f * _E)
    statb[0] = jnp.where(idx == 0, aux, jnp.where(idx == 1, z, 0.0))

    @pl.when(wid == 0)
    def _emit_scalars():
        pltpu.sync_copy(statb.at[0], scal_hbm)


def kernel(x, W):
    B, T, C = x.shape
    N = B * T
    E = W.shape[0]
    capacity = int(_CAP_FACTOR * N * 2 / E)
    blk = 1024
    ch = N // _NW

    x2 = x.reshape(N, C)

    logits = pl.pallas_call(
        _logits_block,
        grid=(N // blk,),
        in_specs=[
            pl.BlockSpec((blk, C), lambda i: (i, 0)),
            pl.BlockSpec((E, C), lambda i: (0, 0)),
        ],
        out_specs=pl.BlockSpec((blk, E), lambda i: (i, 0)),
        out_shape=jax.ShapeDtypeStruct((N, E), jnp.float32),
    )(x2, W)

    mesh = plsc.VectorSubcoreMesh(
        core_axis_name="c", subcore_axis_name="s", num_cores=1)
    router = functools.partial(
        pl.kernel,
        mesh=mesh,
        compiler_params=pltpu.CompilerParams(use_tc_tiling_on_sc=False),
        out_type=(
            jax.ShapeDtypeStruct((N, E), jnp.float32),
            jax.ShapeDtypeStruct((N, E), jnp.float32),
            jax.ShapeDtypeStruct((E,), jnp.float32),
        ),
        scratch_types=[
            pltpu.VMEM((ch, E), jnp.float32),
            pltpu.VMEM((ch, E), jnp.float32),
            pltpu.VMEM((ch, E), jnp.float32),
            pltpu.VMEM((ch, E), jnp.float32),
            pltpu.VMEM((ch, E), jnp.float32),
            pltpu.VMEM((4, E), jnp.float32),
            pltpu.VMEM((4 * _NW, E), jnp.float32),
            pltpu.VMEM_SHARED((4 * _NW, E), jnp.float32),
        ],
    )(functools.partial(_sc_router, ch=ch, n_tokens=N, capacity=capacity))
    cw0, cw1, scal = router(logits)

    combine_weights = jnp.stack([cw0, cw1], axis=-1)
    dispatch_mask = combine_weights > 0.0
    return (dispatch_mask, combine_weights, scal[0], scal[1])

# --- scband reference (transcript-rebuilt; emitter-appended) ---
"""Pipeline reference for scband-optimized-top2-router-71708773974437 (READ-ONLY COPY).

The authoritative reference and input builder live on the scoring server;
editing this copy changes nothing except your own understanding.
"""

import jax, jax.numpy as jnp
import numpy as np

N_EMBD = 2048
NUM_EXPERTS = 16
CAP_FACTOR = 1.25


def setup_inputs(seed: int = 0) -> dict:
    key = jax.random.key(seed)
    k1, k2 = jax.random.split(key)
    x = jax.random.normal(k1, (4, 2048, N_EMBD), dtype=jnp.float32)
    # gate weight: Linear(n_embd -> num_experts, bias=False); logits = x @ W.T
    W = jax.random.normal(k2, (NUM_EXPERTS, N_EMBD), dtype=jnp.float32) * 0.02
    return {"x": x, "W": W}


def reference(x, W):
    B, T, C = x.shape
    N = B * T
    E = NUM_EXPERTS
    x_flat = x.reshape(N, C)
    logits = x_flat @ W.T
    # eval mode: no jitter noise
    gates = jax.nn.softmax(logits.astype(jnp.float32), axis=-1)
    top2_vals, top2_idx = jax.lax.top_k(gates, 2)
    me = gates.mean(axis=0)
    ce = jnp.zeros((E,), dtype=jnp.float32).at[top2_idx[:, 0]].add(1.0 / N)
    aux_loss = E * jnp.sum(me * ce)
    z_loss = jnp.mean(logits.astype(jnp.float32) ** 2)
    capacity = int(CAP_FACTOR * N * 2 / E)
    dm = []
    cw = []
    for k in range(2):
        # one-hot assignment of each token's k-th choice
        oh = top2_idx[:, k:k + 1] == jnp.arange(E)[None, :]
        # position of each token within its expert's queue (token order)
        pos = jnp.cumsum(oh.astype(jnp.int32), axis=0) - 1
        keep = oh & (pos < capacity)
        dm.append(keep)
        cw.append(jnp.where(keep, top2_vals[:, k:k + 1], jnp.float32(0.0)))
    dispatch_mask = jnp.stack(dm, axis=-1)  # [N, E, 2] bool
    combine_weights = jnp.stack(cw, axis=-1)  # [N, E, 2] float32
    return (dispatch_mask, combine_weights, aux_loss, z_loss)

if __name__ == "__main__":
    import jax
    _d = setup_inputs()
    print(jax.jit(kernel)(*tuple(_d.values())))

</pallas_src>

<mosaic_0001>
#map = affine_map<(d0, d1) -> (0, 0)>
#map1 = affine_map<(d0, d1) -> (0)>
module attributes {stable_mosaic.version = 14 : i64} {
  func.func @_sc_router(%arg0: i32, %arg1: i32, %arg2: memref<8192x16xf32, #tpu.memory_space<hbm>>, %arg3: memref<8192x16xf32, #tpu.memory_space<hbm>>, %arg4: memref<8192x16xf32, #tpu.memory_space<hbm>>, %arg5: memref<16xf32, #tpu.memory_space<hbm>>, %arg6: memref<512x16xf32, #tpu.memory_space<vmem>>, %arg7: memref<512x16xf32, #tpu.memory_space<vmem>>, %arg8: memref<512x16xf32, #tpu.memory_space<vmem>>, %arg9: memref<512x16xf32, #tpu.memory_space<vmem>>, %arg10: memref<512x16xf32, #tpu.memory_space<vmem>>, %arg11: memref<4x16xf32, #tpu.memory_space<vmem>>, %arg12: memref<64x16xf32, #tpu.memory_space<vmem>>, %arg13: memref<64x16xf32, #tpu.memory_space<vmem_shared>>) attributes {dimension_semantics = [#tpu.dimension_semantics<core_parallel>, #tpu.dimension_semantics<subcore_parallel>], iteration_bounds = array<i64: 1, 16>, scalar_prefetch = 0 : i64, scratch_operands = 8 : i64, tpu.core_type = #tpu.core_type<sc_vector_subcore>, window_params = [{transform_indices = #map}, {transform_indices = #map}, {transform_indices = #map}, {transform_indices = #map1}]} {
    %mul3A = arith.constant 512 : i32
    %mul3A_0 = arith.muli %arg1, %mul3A : i32
    %iota3A = tpu.iota {dimensions = array<i32: 0>} : vector<16xi32>
    %add3A = arith.constant 1 : i32
    %add3A_1 = vector.broadcast %add3A : i32 to vector<16xi32>
    %add3A_2 = arith.addi %iota3A, %add3A_1 : vector<16xi32>
    %and3A = arith.constant 15 : i32
    %and3A_3 = vector.broadcast %and3A : i32 to vector<16xi32>
    %and3A_4 = arith.andi %add3A_2, %and3A_3 : vector<16xi32>
    %add3A_5 = arith.constant 2 : i32
    %add3A_6 = vector.broadcast %add3A_5 : i32 to vector<16xi32>
    %add3A_7 = arith.addi %iota3A, %add3A_6 : vector<16xi32>
    %and3A_8 = arith.constant 15 : i32
    %and3A_9 = vector.broadcast %and3A_8 : i32 to vector<16xi32>
    %and3A_10 = arith.andi %add3A_7, %and3A_9 : vector<16xi32>
    %add3A_11 = arith.constant 4 : i32
    %add3A_12 = vector.broadcast %add3A_11 : i32 to vector<16xi32>
    %add3A_13 = arith.addi %iota3A, %add3A_12 : vector<16xi32>
    %and3A_14 = arith.constant 15 : i32
    %and3A_15 = vector.broadcast %and3A_14 : i32 to vector<16xi32>
    %and3A_16 = arith.andi %add3A_13, %and3A_15 : vector<16xi32>
    %add3A_17 = arith.constant 8 : i32
    %add3A_18 = vector.broadcast %add3A_17 : i32 to vector<16xi32>
    %add3A_19 = arith.addi %iota3A, %add3A_18 : vector<16xi32>
    %and3A_20 = arith.constant 15 : i32
    %and3A_21 = vector.broadcast %and3A_20 : i32 to vector<16xi32>
    %and3A_22 = arith.andi %add3A_19, %and3A_21 : vector<16xi32>
    "tpu.region"() ({
      %run_scoped3A = tpu.sem_alloc : memref<!tpu.dma_semaphore, #tpu.memory_space<semaphore_mem>>
      %dma_start3A = arith.constant 0 : i32
      %dma_start3A_129 = tpu.memref_slice %arg2[%mul3A_0, %dma_start3A] : memref<8192x16xf32, #tpu.memory_space<hbm>> -> memref<512x16xf32, #tpu.memory_space<hbm>>
      %dma_start3A_130 = arith.constant 0 : i32
      %dma_start3A_131 = tpu.memref_slice %arg2[%mul3A_0, %dma_start3A_130] : memref<8192x16xf32, #tpu.memory_space<hbm>> -> memref<512x16xf32, #tpu.memory_space<hbm>>
      tpu.enqueue_dma source(%dma_start3A_131 : memref<512x16xf32, #tpu.memory_space<hbm>>) target(%arg6 : memref<512x16xf32, #tpu.memory_space<vmem>>) target_semaphore(%run_scoped3A : memref<!tpu.dma_semaphore, #tpu.memory_space<semaphore_mem>>)
      %dma_wait3A = arith.constant 0 : i32
      %dma_wait3A_132 = tpu.memref_slice %arg2[%mul3A_0, %dma_wait3A] : memref<8192x16xf32, #tpu.memory_space<hbm>> -> memref<512x16xf32, #tpu.memory_space<hbm>>
      %dma_wait3A_133 = arith.constant 0 : i32
      %dma_wait3A_134 = tpu.memref_slice %arg2[%mul3A_0, %dma_wait3A_133] : memref<8192x16xf32, #tpu.memory_space<hbm>> -> memref<512x16xf32, #tpu.memory_space<hbm>>
      tpu.wait_dma2 semaphore(%run_scoped3A : memref<!tpu.dma_semaphore, #tpu.memory_space<semaphore_mem>>) src(%dma_wait3A_134 : memref<512x16xf32, #tpu.memory_space<hbm>>) dst(%arg6 : memref<512x16xf32, #tpu.memory_space<vmem>>)
      tpu.yield
    }) : () -> ()
    %broadcast_in_dim3A = arith.constant 0.000000e+00 : f32
    %broadcast_in_dim3A_23 = vector.broadcast %broadcast_in_dim3A : f32 to vector<16xf32>
    %scan3A = arith.constant 0 : i32
    %scan3A_24 = arith.constant 512 : i32
    %scan3A_25 = arith.addi %scan3A, %scan3A_24 : i32
    %scan3A_26 = arith.constant 1 : i32
    %scan3A_27:4 = scf.for %scan3A_129 = %scan3A to %scan3A_25 step %scan3A_26 iter_args(%scan3A_130 = %broadcast_in_dim3A_23, %scan3A_131 = %broadcast_in_dim3A_23, %scan3A_132 = %broadcast_in_dim3A_23, %scan3A_133 = %broadcast_in_dim3A_23) -> (vector<16xf32>, vector<16xf32>, vector<16xf32>, vector<16xf32>)  : i32 {
      %get3A = arith.index_cast %scan3A_129 : i32 to index
      %get3A_134 = arith.constant 0 : index
      %get3A_135 = tpu.vector_load %arg6[%get3A, %get3A_134] {strides = array<i32>} : memref<512x16xf32, #tpu.memory_space<vmem>>, vector<1x16xf32>,
      %get3A_136 = vector.shape_cast %get3A_135 : vector<1x16xf32> to vector<16xf32>
      %mul3A_137 = arith.mulf %get3A_136, %get3A_136 : vector<16xf32>
      %add3A_138 = arith.addf %scan3A_133, %mul3A_137 : vector<16xf32>
      %broadcast_in_dim3A_139 = vector.shape_cast %and3A_4 : vector<16xi32> to vector<16x1xi32>
      %gather3A_140 = vector.shape_cast %broadcast_in_dim3A_139 : vector<16x1xi32> to vector<16xi32>
      %gather3A_141 = tpu.dynamic_gather %get3A_136[%gather3A_140] in [0] : vector<16xf32>, vector<16xi32> -> vector<16xf32>
      %max3A = arith.maximumf %get3A_136, %gather3A_141 : vector<16xf32>
      %broadcast_in_dim3A_142 = vector.shape_cast %and3A_10 : vector<16xi32> to vector<16x1xi32>
      %gather3A_143 = vector.shape_cast %broadcast_in_dim3A_142 : vector<16x1xi32> to vector<16xi32>
      %gather3A_144 = tpu.dynamic_gather %max3A[%gather3A_143] in [0] : vector<16xf32>, vector<16xi32> -> vector<16xf32>
      %max3A_145 = arith.maximumf %max3A, %gather3A_144 : vector<16xf32>
      %broadcast_in_dim3A_146 = vector.shape_cast %and3A_16 : vector<16xi32> to vector<16x1xi32>
      %gather3A_147 = vector.shape_cast %broadcast_in_dim3A_146 : vector<16x1xi32> to vector<16xi32>
      %gather3A_148 = tpu.dynamic_gather %max3A_145[%gather3A_147] in [0] : vector<16xf32>, vector<16xi32> -> vector<16xf32>
      %max3A_149 = arith.maximumf %max3A_145, %gather3A_148 : vector<16xf32>
      %broadcast_in_dim3A_150 = vector.shape_cast %and3A_22 : vector<16xi32> to vector<16x1xi32>
      %gather3A_151 = vector.shape_cast %broadcast_in_dim3A_150 : vector<16x1xi32> to vector<16xi32>
      %gather3A_152 = tpu.dynamic_gather %max3A_149[%gather3A_151] in [0] : vector<16xf32>, vector<16xi32> -> vector<16xf32>
      %max3A_153 = arith.maximumf %max3A_149, %gather3A_152 : vector<16xf32>
      %sub3A = arith.subf %get3A_136, %max3A_153 : vector<16xf32>
      %exp3A = math.exp %sub3A : vector<16xf32>
      %broadcast_in_dim3A_154 = vector.shape_cast %and3A_4 : vector<16xi32> to vector<16x1xi32>
      %gather3A_155 = vector.shape_cast %broadcast_in_dim3A_154 : vector<16x1xi32> to vector<16xi32>
      %gather3A_156 = tpu.dynamic_gather %exp3A[%gather3A_155] in [0] : vector<16xf32>, vector<16xi32> -> vector<16xf32>
      %add3A_157 = arith.addf %exp3A, %gather3A_156 : vector<16xf32>
      %broadcast_in_dim3A_158 = vector.shape_cast %and3A_10 : vector<16xi32> to vector<16x1xi32>
      %gather3A_159 = vector.shape_cast %broadcast_in_dim3A_158 : vector<16x1xi32> to vector<16xi32>
      %gather3A_160 = tpu.dynamic_gather %add3A_157[%gather3A_159] in [0] : vector<16xf32>, vector<16xi32> -> vector<16xf32>
      %add3A_161 = arith.addf %add3A_157, %gather3A_160 : vector<16xf32>
      %broadcast_in_dim3A_162 = vector.shape_cast %and3A_16 : vector<16xi32> to vector<16x1xi32>
      %gather3A_163 = vector.shape_cast %broadcast_in_dim3A_162 : vector<16x1xi32> to vector<16xi32>
      %gather3A_164 = tpu.dynamic_gather %add3A_161[%gather3A_163] in [0] : vector<16xf32>, vector<16xi32> -> vector<16xf32>
      %add3A_165 = arith.addf %add3A_161, %gather3A_164 : vector<16xf32>
      %broadcast_in_dim3A_166 = vector.shape_cast %and3A_22 : vector<16xi32> to vector<16x1xi32>
      %gather3A_167 = vector.shape_cast %broadcast_in_dim3A_166 : vector<16x1xi32> to vector<16xi32>
      %gather3A_168 = tpu.dynamic_gather %add3A_165[%gather3A_167] in [0] : vector<16xf32>, vector<16xi32> -> vector<16xf32>
      %add3A_169 = arith.addf %add3A_165, %gather3A_168 : vector<16xf32>
      %eq3A_170 = arith.cmpf oeq, %get3A_136, %max3A_153 : vector<16xf32>
      %jit3A_171 = arith.constant 16 : i32
      %broadcast_in_dim3A_172 = vector.broadcast %jit3A_171 : i32 to vector<16xi32>
      %select_n3A_173 = arith.select %eq3A_170, %iota3A, %broadcast_in_dim3A_172 : vector<16xi1>, vector<16xi32>
      %broadcast_in_dim3A_174 = vector.shape_cast %and3A_4 : vector<16xi32> to vector<16x1xi32>
      %gather3A_175 = vector.shape_cast %broadcast_in_dim3A_174 : vector<16x1xi32> to vector<16xi32>
      %gather3A_176 = tpu.dynamic_gather %select_n3A_173[%gather3A_175] in [0] : vector<16xi32>, vector<16xi32> -> vector<16xi32>
      %min3A = arith.minsi %select_n3A_173, %gather3A_176 : vector<16xi32>
      %broadcast_in_dim3A_177 = vector.shape_cast %and3A_10 : vector<16xi32> to vector<16x1xi32>
      %gather3A_178 = vector.shape_cast %broadcast_in_dim3A_177 : vector<16x1xi32> to vector<16xi32>
      %gather3A_179 = tpu.dynamic_gather %min3A[%gather3A_178] in [0] : vector<16xi32>, vector<16xi32> -> vector<16xi32>
      %min3A_180 = arith.minsi %min3A, %gather3A_179 : vector<16xi32>
      %broadcast_in_dim3A_181 = vector.shape_cast %and3A_16 : vector<16xi32> to vector<16x1xi32>
      %gather3A_182 = vector.shape_cast %broadcast_in_dim3A_181 : vector<16x1xi32> to vector<16xi32>
      %gather3A_183 = tpu.dynamic_gather %min3A_180[%gather3A_182] in [0] : vector<16xi32>, vector<16xi32> -> vector<16xi32>
      %min3A_184 = arith.minsi %min3A_180, %gather3A_183 : vector<16xi32>
      %broadcast_in_dim3A_185 = vector.shape_cast %and3A_22 : vector<16xi32> to vector<16x1xi32>
      %gather3A_186 = vector.shape_cast %broadcast_in_dim3A_185 : vector<16x1xi32> to vector<16xi32>
      %gather3A_187 = tpu.dynamic_gather %min3A_184[%gather3A_186] in [0] : vector<16xi32>, vector<16xi32> -> vector<16xi32>
      %min3A_188 = arith.minsi %min3A_184, %gather3A_187 : vector<16xi32>
      %eq3A_189 = arith.cmpi eq, %iota3A, %min3A_188 : vector<16xi32>
      %neg3A = arith.constant 0.000000e+00 : f32
      %neg3A_190 = arith.constant 3.400000e+38 : f32
      %neg3A_191 = arith.subf %neg3A, %neg3A_190 : f32
      %broadcast_in_dim3A_192 = vector.broadcast %neg3A_191 : f32 to vector<16xf32>
      %select_n3A_193 = arith.select %eq3A_189, %broadcast_in_dim3A_192, %get3A_136 : vector<16xi1>, vector<16xf32>
      %broadcast_in_dim3A_194 = vector.shape_cast %and3A_4 : vector<16xi32> to vector<16x1xi32>
      %gather3A_195 = vector.shape_cast %broadcast_in_dim3A_194 : vector<16x1xi32> to vector<16xi32>
      %gather3A_196 = tpu.dynamic_gather %select_n3A_193[%gather3A_195] in [0] : vector<16xf32>, vector<16xi32> -> vector<16xf32>
      %max3A_197 = arith.maximumf %select_n3A_193, %gather3A_196 : vector<16xf32>
      %broadcast_in_dim3A_198 = vector.shape_cast %and3A_10 : vector<16xi32> to vector<16x1xi32>
      %gather3A_199 = vector.shape_cast %broadcast_in_dim3A_198 : vector<16x1xi32> to vector<16xi32>
      %gather3A_200 = tpu.dynamic_gather %max3A_197[%gather3A_199] in [0] : vector<16xf32>, vector<16xi32> -> vector<16xf32>
      %max3A_201 = arith.maximumf %max3A_197, %gather3A_200 : vector<16xf32>
      %broadcast_in_dim3A_202 = vector.shape_cast %and3A_16 : vector<16xi32> to vector<16x1xi32>
      %gather3A_203 = vector.shape_cast %broadcast_in_dim3A_202 : vector<16x1xi32> to vector<16xi32>
      %gather3A_204 = tpu.dynamic_gather %max3A_201[%gather3A_203] in [0] : vector<16xf32>, vector<16xi32> -> vector<16xf32>
      %max3A_205 = arith.maximumf %max3A_201, %gather3A_204 : vector<16xf32>
      %broadcast_in_dim3A_206 = vector.shape_cast %and3A_22 : vector<16xi32> to vector<16x1xi32>
      %gather3A_207 = vector.shape_cast %broadcast_in_dim3A_206 : vector<16x1xi32> to vector<16xi32>
      %gather3A_208 = tpu.dynamic_gather %max3A_205[%gather3A_207] in [0] : vector<16xf32>, vector<16xi32> -> vector<16xf32>
      %max3A_209 = arith.maximumf %max3A_205, %gather3A_208 : vector<16xf32>
      %eq3A_210 = arith.cmpf oeq, %select_n3A_193, %max3A_209 : vector<16xf32>
      %jit3A_211 = arith.constant 16 : i32
      %broadcast_in_dim3A_212 = vector.broadcast %jit3A_211 : i32 to vector<16xi32>
      %select_n3A_213 = arith.select %eq3A_210, %iota3A, %broadcast_in_dim3A_212 : vector<16xi1>, vector<16xi32>
      %broadcast_in_dim3A_214 = vector.shape_cast %and3A_4 : vector<16xi32> to vector<16x1xi32>
      %gather3A_215 = vector.shape_cast %broadcast_in_dim3A_214 : vector<16x1xi32> to vector<16xi32>
      %gather3A_216 = tpu.dynamic_gather %select_n3A_213[%gather3A_215] in [0] : vector<16xi32>, vector<16xi32> -> vector<16xi32>
      %min3A_217 = arith.minsi %select_n3A_213, %gather3A_216 : vector<16xi32>
      %broadcast_in_dim3A_218 = vector.shape_cast %and3A_10 : vector<16xi32> to vector<16x1xi32>
      %gather3A_219 = vector.shape_cast %broadcast_in_dim3A_218 : vector<16x1xi32> to vector<16xi32>
      %gather3A_220 = tpu.dynamic_gather %min3A_217[%gather3A_219] in [0] : vector<16xi32>, vector<16xi32> -> vector<16xi32>
      %min3A_221 = arith.minsi %min3A_217, %gather3A_220 : vector<16xi32>
      %broadcast_in_dim3A_222 = vector.shape_cast %and3A_16 : vector<16xi32> to vector<16x1xi32>
      %gather3A_223 = vector.shape_cast %broadcast_in_dim3A_222 : vector<16x1xi32> to vector<16xi32>
      %gather3A_224 = tpu.dynamic_gather %min3A_221[%gather3A_223] in [0] : vector<16xi32>, vector<16xi32> -> vector<16xi32>
      %min3A_225 = arith.minsi %min3A_221, %gather3A_224 : vector<16xi32>
      %broadcast_in_dim3A_226 = vector.shape_cast %and3A_22 : vector<16xi32> to vector<16x1xi32>
      %gather3A_227 = vector.shape_cast %broadcast_in_dim3A_226 : vector<16x1xi32> to vector<16xi32>
      %gather3A_228 = tpu.dynamic_gather %min3A_225[%gather3A_227] in [0] : vector<16xi32>, vector<16xi32> -> vector<16xi32>
      %min3A_229 = arith.minsi %min3A_225, %gather3A_228 : vector<16xi32>
      %eq3A_230 = arith.cmpi eq, %iota3A, %min3A_229 : vector<16xi32>
      %div3A_231 = arith.constant 1.000000e+00 : f32
      %div3A_232 = vector.broadcast %div3A_231 : f32 to vector<16xf32>
      %div3A_233 = arith.divf %div3A_232, %add3A_169 : vector<16xf32>
      %sub3A_234 = arith.subf %max3A_209, %max3A_153 : vector<16xf32>
      %exp3A_235 = math.exp %sub3A_234 : vector<16xf32>
      %div3A_236 = arith.divf %exp3A_235, %add3A_169 : vector<16xf32>
      %jit3A_237 = arith.constant 1.000000e+00 : f32
      %jit3A_238 = arith.constant 0.000000e+00 : f32
      %broadcast_in_dim3A_239 = vector.broadcast %jit3A_237 : f32 to vector<16xf32>
      %broadcast_in_dim3A_240 = vector.broadcast %jit3A_238 : f32 to vector<16xf32>
      %select_n3A_241 = arith.select %eq3A_189, %broadcast_in_dim3A_239, %broadcast_in_dim3A_240 : vector<16xi1>, vector<16xf32>
      %jit3A_242 = arith.constant 1.000000e+00 : f32
      %jit3A_243 = arith.constant 0.000000e+00 : f32
      %broadcast_in_dim3A_244 = vector.broadcast %jit3A_242 : f32 to vector<16xf32>
      %broadcast_in_dim3A_245 = vector.broadcast %jit3A_243 : f32 to vector<16xf32>
      %select_n3A_246 = arith.select %eq3A_230, %broadcast_in_dim3A_244, %broadcast_in_dim3A_245 : vector<16xi1>, vector<16xf32>
      %jit3A_247 = arith.constant 1.000000e+09 : f32
      %broadcast_in_dim3A_248 = vector.broadcast %jit3A_247 : f32 to vector<16xf32>
      %select_n3A_249 = arith.select %eq3A_189, %scan3A_130, %broadcast_in_dim3A_248 : vector<16xi1>, vector<16xf32>
      %swap3A_250 = arith.index_cast %scan3A_129 : i32 to index
      %swap3A_251 = arith.constant 0 : index
      %swap3A_252 = tpu.vector_load %arg7[%swap3A_250, %swap3A_251] {strides = array<i32>} : memref<512x16xf32, #tpu.memory_space<vmem>>, vector<1x16xf32>,
      %swap3A_253 = vector.shape_cast %swap3A_252 : vector<1x16xf32> to vector<16xf32>
      %swap3A_254 = vector.shape_cast %select_n3A_249 : vector<16xf32> to vector<1x16xf32>
      tpu.vector_store %arg7[%swap3A_250, %swap3A_251], %swap3A_254 {strides = array<i32>} : memref<512x16xf32, #tpu.memory_space<vmem>>, vector<1x16xf32>,
      %jit3A_255 = arith.constant 1.000000e+09 : f32
      %broadcast_in_dim3A_256 = vector.broadcast %jit3A_255 : f32 to vector<16xf32>
      %select_n3A_257 = arith.select %eq3A_230, %scan3A_131, %broadcast_in_dim3A_256 : vector<16xi1>, vector<16xf32>
      %swap3A_258 = arith.index_cast %scan3A_129 : i32 to index
      %swap3A_259 = arith.constant 0 : index
      %swap3A_260 = tpu.vector_load %arg8[%swap3A_258, %swap3A_259] {strides = array<i32>} : memref<512x16xf32, #tpu.memory_space<vmem>>, vector<1x16xf32>,
      %swap3A_261 = vector.shape_cast %swap3A_260 : vector<1x16xf32> to vector<16xf32>
      %swap3A_262 = vector.shape_cast %select_n3A_257 : vector<16xf32> to vector<1x16xf32>
      tpu.vector_store %arg8[%swap3A_258, %swap3A_259], %swap3A_262 {strides = array<i32>} : memref<512x16xf32, #tpu.memory_space<vmem>>, vector<1x16xf32>,
      %mul3A_263 = arith.mulf %select_n3A_241, %div3A_233 : vector<16xf32>
      %swap3A_264 = arith.index_cast %scan3A_129 : i32 to index
      %swap3A_265 = arith.constant 0 : index
      %swap3A_266 = tpu.vector_load %arg9[%swap3A_264, %swap3A_265] {strides = array<i32>} : memref<512x16xf32, #tpu.memory_space<vmem>>, vector<1x16xf32>,
      %swap3A_267 = vector.shape_cast %swap3A_266 : vector<1x16xf32> to vector<16xf32>
      %swap3A_268 = vector.shape_cast %mul3A_263 : vector<16xf32> to vector<1x16xf32>
      tpu.vector_store %arg9[%swap3A_264, %swap3A_265], %swap3A_268 {strides = array<i32>} : memref<512x16xf32, #tpu.memory_space<vmem>>, vector<1x16xf32>,
      %max3A_269 = arith.constant 1.000000e-30 : f32
      %max3A_270 = vector.broadcast %max3A_269 : f32 to vector<16xf32>
      %max3A_271 = arith.maximumf %div3A_236, %max3A_270 : vector<16xf32>
      %mul3A_272 = arith.mulf %select_n3A_246, %max3A_271 : vector<16xf32>
      %swap3A_273 = arith.index_cast %scan3A_129 : i32 to index
      %swap3A_274 = arith.constant 0 : index
      %swap3A_275 = tpu.vector_load %arg10[%swap3A_273, %swap3A_274] {strides = array<i32>} : memref<512x16xf32, #tpu.memory_space<vmem>>, vector<1x16xf32>,
      %swap3A_276 = vector.shape_cast %swap3A_275 : vector<1x16xf32> to vector<16xf32>
      %swap3A_277 = vector.shape_cast %mul3A_272 : vector<16xf32> to vector<1x16xf32>
      tpu.vector_store %arg10[%swap3A_273, %swap3A_274], %swap3A_277 {strides = array<i32>} : memref<512x16xf32, #tpu.memory_space<vmem>>, vector<1x16xf32>,
      %add3A_278 = arith.addf %scan3A_130, %select_n3A_241 : vector<16xf32>
      %add3A_279 = arith.addf %scan3A_131, %select_n3A_246 : vector<16xf32>
      %div3A_280 = arith.divf %exp3A, %add3A_169 : vector<16xf32>
      %add3A_281 = arith.addf %scan3A_132, %div3A_280 : vector<16xf32>
      scf.yield %add3A_278, %add3A_279, %add3A_281, %add3A_138 : vector<16xf32>, vector<16xf32>, vector<16xf32>, vector<16xf32>
    }
    %scan3A_28 = arith.constant 512 : i32
    %swap3A = arith.constant 0 : i32
    %swap3A_29 = arith.index_cast %swap3A : i32 to index
    %swap3A_30 = arith.constant 0 : index
    %swap3A_31 = tpu.vector_load %arg11[%swap3A_29, %swap3A_30] {strides = array<i32>} : memref<4x16xf32, #tpu.memory_space<vmem>>, vector<1x16xf32>,
    %swap3A_32 = vector.shape_cast %swap3A_31 : vector<1x16xf32> to vector<16xf32>
    %swap3A_33 = vector.shape_cast %scan3A_27#0 : vector<16xf32> to vector<1x16xf32>
    tpu.vector_store %arg11[%swap3A_29, %swap3A_30], %swap3A_33 {strides = array<i32>} : memref<4x16xf32, #tpu.memory_space<vmem>>, vector<1x16xf32>,
    %swap3A_34 = arith.constant 1 : i32
    %swap3A_35 = arith.index_cast %swap3A_34 : i32 to index
    %swap3A_36 = arith.constant 0 : index
    %swap3A_37 = tpu.vector_load %arg11[%swap3A_35, %swap3A_36] {strides = array<i32>} : memref<4x16xf32, #tpu.memory_space<vmem>>, vector<1x16xf32>,
    %swap3A_38 = vector.shape_cast %swap3A_37 : vector<1x16xf32> to vector<16xf32>
    %swap3A_39 = vector.shape_cast %scan3A_27#1 : vector<16xf32> to vector<1x16xf32>
    tpu.vector_store %arg11[%swap3A_35, %swap3A_36], %swap3A_39 {strides = array<i32>} : memref<4x16xf32, #tpu.memory_space<vmem>>, vector<1x16xf32>,
    %swap3A_40 = arith.constant 2 : i32
    %swap3A_41 = arith.index_cast %swap3A_40 : i32 to index
    %swap3A_42 = arith.constant 0 : index
    %swap3A_43 = tpu.vector_load %arg11[%swap3A_41, %swap3A_42] {strides = array<i32>} : memref<4x16xf32, #tpu.memory_space<vmem>>, vector<1x16xf32>,
    %swap3A_44 = vector.shape_cast %swap3A_43 : vector<1x16xf32> to vector<16xf32>
    %swap3A_45 = vector.shape_cast %scan3A_27#2 : vector<16xf32> to vector<1x16xf32>
    tpu.vector_store %arg11[%swap3A_41, %swap3A_42], %swap3A_45 {strides = array<i32>} : memref<4x16xf32, #tpu.memory_space<vmem>>, vector<1x16xf32>,
    %swap3A_46 = arith.constant 3 : i32
    %swap3A_47 = arith.index_cast %swap3A_46 : i32 to index
    %swap3A_48 = arith.constant 0 : index
    %swap3A_49 = tpu.vector_load %arg11[%swap3A_47, %swap3A_48] {strides = array<i32>} : memref<4x16xf32, #tpu.memory_space<vmem>>, vector<1x16xf32>,
    %swap3A_50 = vector.shape_cast %swap3A_49 : vector<1x16xf32> to vector<16xf32>
    %swap3A_51 = vector.shape_cast %scan3A_27#3 : vector<16xf32> to vector<1x16xf32>
    tpu.vector_store %arg11[%swap3A_47, %swap3A_48], %swap3A_51 {strides = array<i32>} : memref<4x16xf32, #tpu.memory_space<vmem>>, vector<1x16xf32>,
    %mul3A_52 = arith.constant 4 : i32
    %mul3A_53 = arith.muli %arg1, %mul3A_52 : i32
    "tpu.region"() ({
      %run_scoped3A = tpu.sem_alloc : memref<!tpu.dma_semaphore, #tpu.memory_space<semaphore_mem>>
      %dma_start3A = arith.constant 0 : i32
      %dma_start3A_129 = tpu.memref_slice %arg13[%mul3A_53, %dma_start3A] : memref<64x16xf32, #tpu.memory_space<vmem_shared>> -> memref<4x16xf32, #tpu.memory_space<vmem_shared>>
      %dma_start3A_130 = arith.constant 0 : i32
      %dma_start3A_131 = tpu.memref_slice %arg13[%mul3A_53, %dma_start3A_130] : memref<64x16xf32, #tpu.memory_space<vmem_shared>> -> memref<4x16xf32, #tpu.memory_space<vmem_shared>>
      tpu.enqueue_dma source(%arg11 : memref<4x16xf32, #tpu.memory_space<vmem>>) target(%dma_start3A_131 : memref<4x16xf32, #tpu.memory_space<vmem_shared>>) target_semaphore(%run_scoped3A : memref<!tpu.dma_semaphore, #tpu.memory_space<semaphore_mem>>)
      %dma_wait3A = arith.constant 0 : i32
      %dma_wait3A_132 = tpu.memref_slice %arg13[%mul3A_53, %dma_wait3A] : memref<64x16xf32, #tpu.memory_space<vmem_shared>> -> memref<4x16xf32, #tpu.memory_space<vmem_shared>>
      %dma_wait3A_133 = arith.constant 0 : i32
      %dma_wait3A_134 = tpu.memref_slice %arg13[%mul3A_53, %dma_wait3A_133] : memref<64x16xf32, #tpu.memory_space<vmem_shared>> -> memref<4x16xf32, #tpu.memory_space<vmem_shared>>
      tpu.wait_dma2 semaphore(%run_scoped3A : memref<!tpu.dma_semaphore, #tpu.memory_space<semaphore_mem>>) src(%arg11 : memref<4x16xf32, #tpu.memory_space<vmem>>) dst(%dma_wait3A_134 : memref<4x16xf32, #tpu.memory_space<vmem_shared>>)
      tpu.yield
    }) : () -> ()
    %barrier3A = arith.constant 0 : index
    tpu.barrier barrier_id(%barrier3A)
    "tpu.region"() ({
      %run_scoped3A = tpu.sem_alloc : memref<!tpu.dma_semaphore, #tpu.memory_space<semaphore_mem>>
      tpu.enqueue_dma source(%arg13 : memref<64x16xf32, #tpu.memory_space<vmem_shared>>) target(%arg12 : memref<64x16xf32, #tpu.memory_space<vmem>>) target_semaphore(%run_scoped3A : memref<!tpu.dma_semaphore, #tpu.memory_space<semaphore_mem>>)
      tpu.wait_dma2 semaphore(%run_scoped3A : memref<!tpu.dma_semaphore, #tpu.memory_space<semaphore_mem>>) src(%arg13 : memref<64x16xf32, #tpu.memory_space<vmem_shared>>) dst(%arg12 : memref<64x16xf32, #tpu.memory_space<vmem>>)
      tpu.yield
    }) : () -> ()
    %scan3A_54 = arith.constant 0 : i32
    %scan3A_55 = arith.constant 16 : i32
    %scan3A_56 = arith.addi %scan3A_54, %scan3A_55 : i32
    %scan3A_57 = arith.constant 1 : i32
    %scan3A_58:5 = scf.for %scan3A_129 = %scan3A_54 to %scan3A_56 step %scan3A_57 iter_args(%scan3A_130 = %broadcast_in_dim3A_23, %scan3A_131 = %broadcast_in_dim3A_23, %scan3A_132 = %broadcast_in_dim3A_23, %scan3A_133 = %broadcast_in_dim3A_23, %scan3A_134 = %broadcast_in_dim3A_23) -> (vector<16xf32>, vector<16xf32>, vector<16xf32>, vector<16xf32>, vector<16xf32>)  : i32 {
      %lt3A = arith.cmpi slt, %scan3A_129, %arg1 : i32
      %jit3A_135 = arith.constant 1.000000e+00 : f32
      %jit3A_136 = arith.constant 0.000000e+00 : f32
      %select_n3A_137 = arith.select %lt3A, %jit3A_135, %jit3A_136 : f32
      %mul3A_138 = arith.constant 4 : i32
      %mul3A_139 = arith.muli %scan3A_129, %mul3A_138 : i32
      %get3A = arith.index_cast %mul3A_139 : i32 to index
      %get3A_140 = arith.constant 0 : index
      %get3A_141 = tpu.vector_load %arg12[%get3A, %get3A_140] {strides = array<i32>} : memref<64x16xf32, #tpu.memory_space<vmem>>, vector<1x16xf32>,
      %get3A_142 = vector.shape_cast %get3A_141 : vector<1x16xf32> to vector<16xf32>
      %mul3A_143 = arith.constant 4 : i32
      %mul3A_144 = arith.muli %scan3A_129, %mul3A_143 : i32
      %add3A_145 = arith.constant 1 : i32
      %add3A_146 = arith.addi %mul3A_144, %add3A_145 : i32
      %get3A_147 = arith.index_cast %add3A_146 : i32 to index
      %get3A_148 = arith.constant 0 : index
      %get3A_149 = tpu.vector_load %arg12[%get3A_147, %get3A_148] {strides = array<i32>} : memref<64x16xf32, #tpu.memory_space<vmem>>, vector<1x16xf32>,
      %get3A_150 = vector.shape_cast %get3A_149 : vector<1x16xf32> to vector<16xf32>
      %mul3A_151 = vector.broadcast %select_n3A_137 : f32 to vector<16xf32>
      %mul3A_152 = arith.mulf %get3A_142, %mul3A_151 : vector<16xf32>
      %add3A_153 = arith.addf %scan3A_130, %mul3A_152 : vector<16xf32>
      %mul3A_154 = vector.broadcast %select_n3A_137 : f32 to vector<16xf32>
      %mul3A_155 = arith.mulf %get3A_150, %mul3A_154 : vector<16xf32>
      %add3A_156 = arith.addf %scan3A_131, %mul3A_155 : vector<16xf32>
      %add3A_157 = arith.addf %scan3A_132, %get3A_142 : vector<16xf32>
      %mul3A_158 = arith.constant 4 : i32
      %mul3A_159 = arith.muli %scan3A_129, %mul3A_158 : i32
      %add3A_160 = arith.constant 2 : i32
      %add3A_161 = arith.addi %mul3A_159, %add3A_160 : i32
      %get3A_162 = arith.index_cast %add3A_161 : i32 to index
      %get3A_163 = arith.constant 0 : index
      %get3A_164 = tpu.vector_load %arg12[%get3A_162, %get3A_163] {strides = array<i32>} : memref<64x16xf32, #tpu.memory_space<vmem>>, vector<1x16xf32>,
      %get3A_165 = vector.shape_cast %get3A_164 : vector<1x16xf32> to vector<16xf32>
      %add3A_166 = arith.addf %scan3A_133, %get3A_165 : vector<16xf32>
      %mul3A_167 = arith.constant 4 : i32
      %mul3A_168 = arith.muli %scan3A_129, %mul3A_167 : i32
      %add3A_169 = arith.constant 3 : i32
      %add3A_170 = arith.addi %mul3A_168, %add3A_169 : i32
      %get3A_171 = arith.index_cast %add3A_170 : i32 to index
      %get3A_172 = arith.constant 0 : index
      %get3A_173 = tpu.vector_load %arg12[%get3A_171, %get3A_172] {strides = array<i32>} : memref<64x16xf32, #tpu.memory_space<vmem>>, vector<1x16xf32>,
      %get3A_174 = vector.shape_cast %get3A_173 : vector<1x16xf32> to vector<16xf32>
      %add3A_175 = arith.addf %scan3A_134, %get3A_174 : vector<16xf32>
      scf.yield %add3A_153, %add3A_156, %add3A_157, %add3A_166, %add3A_175 : vector<16xf32>, vector<16xf32>, vector<16xf32>, vector<16xf32>, vector<16xf32>
    }
    %scan3A_59 = arith.constant 16 : i32
    %scan3A_60 = arith.constant 1.280000e+03 : f32
    %scan3A_61 = arith.constant 0 : i32
    %scan3A_62 = arith.constant 0 : i32
    %scan3A_63 = arith.constant 512 : i32
    %scan3A_64 = arith.addi %scan3A_62, %scan3A_63 : i32
    %scan3A_65 = arith.constant 1 : i32
    %scan3A_66 = scf.for %scan3A_129 = %scan3A_62 to %scan3A_64 step %scan3A_65 iter_args(%scan3A_130 = %scan3A_61) -> (i32)  : i32 {
      %get3A = arith.index_cast %scan3A_129 : i32 to index
      %get3A_131 = arith.constant 0 : index
      %get3A_132 = tpu.vector_load %arg7[%get3A, %get3A_131] {strides = array<i32>} : memref<512x16xf32, #tpu.memory_space<vmem>>, vector<1x16xf32>,
      %get3A_133 = vector.shape_cast %get3A_132 : vector<1x16xf32> to vector<16xf32>
      %add3A_134 = arith.addf %get3A_133, %scan3A_58#0 : vector<16xf32>
      %lt3A = vector.broadcast %scan3A_60 : f32 to vector<16xf32>
      %lt3A_135 = arith.cmpf olt, %add3A_134, %lt3A : vector<16xf32>
      %get3A_136 = arith.index_cast %scan3A_129 : i32 to index
      %get3A_137 = arith.constant 0 : index
      %get3A_138 = tpu.vector_load %arg8[%get3A_136, %get3A_137] {strides = array<i32>} : memref<512x16xf32, #tpu.memory_space<vmem>>, vector<1x16xf32>,
      %get3A_139 = vector.shape_cast %get3A_138 : vector<1x16xf32> to vector<16xf32>
      %add3A_140 = arith.addf %get3A_139, %scan3A_58#1 : vector<16xf32>
      %lt3A_141 = vector.broadcast %scan3A_60 : f32 to vector<16xf32>
      %lt3A_142 = arith.cmpf olt, %add3A_140, %lt3A_141 : vector<16xf32>
      %get3A_143 = arith.index_cast %scan3A_129 : i32 to index
      %get3A_144 = arith.constant 0 : index
      %get3A_145 = tpu.vector_load %arg9[%get3A_143, %get3A_144] {strides = array<i32>} : memref<512x16xf32, #tpu.memory_space<vmem>>, vector<1x16xf32>,
      %get3A_146 = vector.shape_cast %get3A_145 : vector<1x16xf32> to vector<16xf32>
      %jit3A_147 = arith.constant 0.000000e+00 : f32
      %broadcast_in_dim3A_148 = vector.broadcast %jit3A_147 : f32 to vector<16xf32>
      %select_n3A_149 = arith.select %lt3A_135, %get3A_146, %broadcast_in_dim3A_148 : vector<16xi1>, vector<16xf32>
      %swap3A_150 = arith.index_cast %scan3A_129 : i32 to index
      %swap3A_151 = arith.constant 0 : index
      %swap3A_152 = tpu.vector_load %arg9[%swap3A_150, %swap3A_151] {strides = array<i32>} : memref<512x16xf32, #tpu.memory_space<vmem>>, vector<1x16xf32>,
      %swap3A_153 = vector.shape_cast %swap3A_152 : vector<1x16xf32> to vector<16xf32>
      %swap3A_154 = vector.shape_cast %select_n3A_149 : vector<16xf32> to vector<1x16xf32>
      tpu.vector_store %arg9[%swap3A_150, %swap3A_151], %swap3A_154 {strides = array<i32>} : memref<512x16xf32, #tpu.memory_space<vmem>>, vector<1x16xf32>,
      %get3A_155 = arith.index_cast %scan3A_129 : i32 to index
      %get3A_156 = arith.constant 0 : index
      %get3A_157 = tpu.vector_load %arg10[%get3A_155, %get3A_156] {strides = array<i32>} : memref<512x16xf32, #tpu.memory_space<vmem>>, vector<1x16xf32>,
      %get3A_158 = vector.shape_cast %get3A_157 : vector<1x16xf32> to vector<16xf32>
      %jit3A_159 = arith.constant 0.000000e+00 : f32
      %broadcast_in_dim3A_160 = vector.broadcast %jit3A_159 : f32 to vector<16xf32>
      %select_n3A_161 = arith.select %lt3A_142, %get3A_158, %broadcast_in_dim3A_160 : vector<16xi1>, vector<16xf32>
      %swap3A_162 = arith.index_cast %scan3A_129 : i32 to index
      %swap3A_163 = arith.constant 0 : index
      %swap3A_164 = tpu.vector_load %arg10[%swap3A_162, %swap3A_163] {strides = array<i32>} : memref<512x16xf32, #tpu.memory_space<vmem>>, vector<1x16xf32>,
      %swap3A_165 = vector.shape_cast %swap3A_164 : vector<1x16xf32> to vector<16xf32>
      %swap3A_166 = vector.shape_cast %select_n3A_161 : vector<16xf32> to vector<1x16xf32>
      tpu.vector_store %arg10[%swap3A_162, %swap3A_163], %swap3A_166 {strides = array<i32>} : memref<512x16xf32, #tpu.memory_space<vmem>>, vector<1x16xf32>,
      %scan3A_167 = arith.constant 0 : i32
      scf.yield %scan3A_167 : i32
    }
    %scan3A_67 = arith.constant 512 : i32
    "tpu.region"() ({
      %run_scoped3A = tpu.sem_alloc : memref<!tpu.dma_semaphore, #tpu.memory_space<semaphore_mem>>
      %dma_start3A = arith.constant 0 : i32
      %dma_start3A_129 = tpu.memref_slice %arg3[%mul3A_0, %dma_start3A] : memref<8192x16xf32, #tpu.memory_space<hbm>> -> memref<512x16xf32, #tpu.memory_space<hbm>>
      %dma_start3A_130 = arith.constant 0 : i32
      %dma_start3A_131 = tpu.memref_slice %arg3[%mul3A_0, %dma_start3A_130] : memref<8192x16xf32, #tpu.memory_space<hbm>> -> memref<512x16xf32, #tpu.memory_space<hbm>>
      tpu.enqueue_dma source(%arg9 : memref<512x16xf32, #tpu.memory_space<vmem>>) target(%dma_start3A_131 : memref<512x16xf32, #tpu.memory_space<hbm>>) target_semaphore(%run_scoped3A : memref<!tpu.dma_semaphore, #tpu.memory_space<semaphore_mem>>)
      %dma_wait3A = arith.constant 0 : i32
      %dma_wait3A_132 = tpu.memref_slice %arg3[%mul3A_0, %dma_wait3A] : memref<8192x16xf32, #tpu.memory_space<hbm>> -> memref<512x16xf32, #tpu.memory_space<hbm>>
      %dma_wait3A_133 = arith.constant 0 : i32
      %dma_wait3A_134 = tpu.memref_slice %arg3[%mul3A_0, %dma_wait3A_133] : memref<8192x16xf32, #tpu.memory_space<hbm>> -> memref<512x16xf32, #tpu.memory_space<hbm>>
      tpu.wait_dma2 semaphore(%run_scoped3A : memref<!tpu.dma_semaphore, #tpu.memory_space<semaphore_mem>>) src(%arg9 : memref<512x16xf32, #tpu.memory_space<vmem>>) dst(%dma_wait3A_134 : memref<512x16xf32, #tpu.memory_space<hbm>>)
      tpu.yield
    }) : () -> ()
    "tpu.region"() ({
      %run_scoped3A = tpu.sem_alloc : memref<!tpu.dma_semaphore, #tpu.memory_space<semaphore_mem>>
      %dma_start3A = arith.constant 0 : i32
      %dma_start3A_129 = tpu.memref_slice %arg4[%mul3A_0, %dma_start3A] : memref<8192x16xf32, #tpu.memory_space<hbm>> -> memref<512x16xf32, #tpu.memory_space<hbm>>
      %dma_start3A_130 = arith.constant 0 : i32
      %dma_start3A_131 = tpu.memref_slice %arg4[%mul3A_0, %dma_start3A_130] : memref<8192x16xf32, #tpu.memory_space<hbm>> -> memref<512x16xf32, #tpu.memory_space<hbm>>
      tpu.enqueue_dma source(%arg10 : memref<512x16xf32, #tpu.memory_space<vmem>>) target(%dma_start3A_131 : memref<512x16xf32, #tpu.memory_space<hbm>>) target_semaphore(%run_scoped3A : memref<!tpu.dma_semaphore, #tpu.memory_space<semaphore_mem>>)
      %dma_wait3A = arith.constant 0 : i32
      %dma_wait3A_132 = tpu.memref_slice %arg4[%mul3A_0, %dma_wait3A] : memref<8192x16xf32, #tpu.memory_space<hbm>> -> memref<512x16xf32, #tpu.memory_space<hbm>>
      %dma_wait3A_133 = arith.constant 0 : i32
      %dma_wait3A_134 = tpu.memref_slice %arg4[%mul3A_0, %dma_wait3A_133] : memref<8192x16xf32, #tpu.memory_space<hbm>> -> memref<512x16xf32, #tpu.memory_space<hbm>>
      tpu.wait_dma2 semaphore(%run_scoped3A : memref<!tpu.dma_semaphore, #tpu.memory_space<semaphore_mem>>) src(%arg10 : memref<512x16xf32, #tpu.memory_space<vmem>>) dst(%dma_wait3A_134 : memref<512x16xf32, #tpu.memory_space<hbm>>)
      tpu.yield
    }) : () -> ()
    %div3A = arith.constant 8.192000e+03 : f32
    %div3A_68 = vector.broadcast %div3A : f32 to vector<16xf32>
    %div3A_69 = arith.divf %scan3A_58#3, %div3A_68 : vector<16xf32>
    %div3A_70 = arith.constant 8.192000e+03 : f32
    %div3A_71 = vector.broadcast %div3A_70 : f32 to vector<16xf32>
    %div3A_72 = arith.divf %scan3A_58#2, %div3A_71 : vector<16xf32>
    %mul3A_73 = arith.mulf %div3A_69, %div3A_72 : vector<16xf32>
    %broadcast_in_dim3A_74 = vector.shape_cast %and3A_4 : vector<16xi32> to vector<16x1xi32>
    %gather3A = vector.shape_cast %broadcast_in_dim3A_74 : vector<16x1xi32> to vector<16xi32>
    %gather3A_75 = tpu.dynamic_gather %mul3A_73[%gather3A] in [0] : vector<16xf32>, vector<16xi32> -> vector<16xf32>
    %add3A_76 = arith.addf %mul3A_73, %gather3A_75 : vector<16xf32>
    %broadcast_in_dim3A_77 = vector.shape_cast %and3A_10 : vector<16xi32> to vector<16x1xi32>
    %gather3A_78 = vector.shape_cast %broadcast_in_dim3A_77 : vector<16x1xi32> to vector<16xi32>
    %gather3A_79 = tpu.dynamic_gather %add3A_76[%gather3A_78] in [0] : vector<16xf32>, vector<16xi32> -> vector<16xf32>
    %add3A_80 = arith.addf %add3A_76, %gather3A_79 : vector<16xf32>
    %broadcast_in_dim3A_81 = vector.shape_cast %and3A_16 : vector<16xi32> to vector<16x1xi32>
    %gather3A_82 = vector.shape_cast %broadcast_in_dim3A_81 : vector<16x1xi32> to vector<16xi32>
    %gather3A_83 = tpu.dynamic_gather %add3A_80[%gather3A_82] in [0] : vector<16xf32>, vector<16xi32> -> vector<16xf32>
    %add3A_84 = arith.addf %add3A_80, %gather3A_83 : vector<16xf32>
    %broadcast_in_dim3A_85 = vector.shape_cast %and3A_22 : vector<16xi32> to vector<16x1xi32>
    %gather3A_86 = vector.shape_cast %broadcast_in_dim3A_85 : vector<16x1xi32> to vector<16xi32>
    %gather3A_87 = tpu.dynamic_gather %add3A_84[%gather3A_86] in [0] : vector<16xf32>, vector<16xi32> -> vector<16xf32>
    %add3A_88 = arith.addf %add3A_84, %gather3A_87 : vector<16xf32>
    %mul3A_89 = arith.constant 1.600000e+01 : f32
    %mul3A_90 = vector.broadcast %mul3A_89 : f32 to vector<16xf32>
    %mul3A_91 = arith.mulf %mul3A_90, %add3A_88 : vector<16xf32>
    %broadcast_in_dim3A_92 = vector.shape_cast %and3A_4 : vector<16xi32> to vector<16x1xi32>
    %gather3A_93 = vector.shape_cast %broadcast_in_dim3A_92 : vector<16x1xi32> to vector<16xi32>
    %gather3A_94 = tpu.dynamic_gather %scan3A_58#4[%gather3A_93] in [0] : vector<16xf32>, vector<16xi32> -> vector<16xf32>
    %add3A_95 = arith.addf %scan3A_58#4, %gather3A_94 : vector<16xf32>
    %broadcast_in_dim3A_96 = vector.shape_cast %and3A_10 : vector<16xi32> to vector<16x1xi32>
    %gather3A_97 = vector.shape_cast %broadcast_in_dim3A_96 : vector<16x1xi32> to vector<16xi32>
    %gather3A_98 = tpu.dynamic_gather %add3A_95[%gather3A_97] in [0] : vector<16xf32>, vector<16xi32> -> vector<16xf32>
    %add3A_99 = arith.addf %add3A_95, %gather3A_98 : vector<16xf32>
    %broadcast_in_dim3A_100 = vector.shape_cast %and3A_16 : vector<16xi32> to vector<16x1xi32>
    %gather3A_101 = vector.shape_cast %broadcast_in_dim3A_100 : vector<16x1xi32> to vector<16xi32>
    %gather3A_102 = tpu.dynamic_gather %add3A_99[%gather3A_101] in [0] : vector<16xf32>, vector<16xi32> -> vector<16xf32>
    %add3A_103 = arith.addf %add3A_99, %gather3A_102 : vector<16xf32>
    %broadcast_in_dim3A_104 = vector.shape_cast %and3A_22 : vector<16xi32> to vector<16x1xi32>
    %gather3A_105 = vector.shape_cast %broadcast_in_dim3A_104 : vector<16x1xi32> to vector<16xi32>
    %gather3A_106 = tpu.dynamic_gather %add3A_103[%gather3A_105] in [0] : vector<16xf32>, vector<16xi32> -> vector<16xf32>
    %add3A_107 = arith.addf %add3A_103, %gather3A_106 : vector<16xf32>
    %mul3A_108 = arith.constant 8.192000e+03 : f32
    %mul3A_109 = arith.constant 1.600000e+01 : f32
    %mul3A_110 = arith.mulf %mul3A_108, %mul3A_109 : f32
    %div3A_111 = vector.broadcast %mul3A_110 : f32 to vector<16xf32>
    %div3A_112 = arith.divf %add3A_107, %div3A_111 : vector<16xf32>
    %eq3A = arith.constant 0 : i32
    %eq3A_113 = vector.broadcast %eq3A : i32 to vector<16xi32>
    %eq3A_114 = arith.cmpi eq, %iota3A, %eq3A_113 : vector<16xi32>
    %eq3A_115 = arith.constant 1 : i32
    %eq3A_116 = vector.broadcast %eq3A_115 : i32 to vector<16xi32>
    %eq3A_117 = arith.cmpi eq, %iota3A, %eq3A_116 : vector<16xi32>
    %jit3A = arith.constant 0.000000e+00 : f32
    %broadcast_in_dim3A_118 = vector.broadcast %jit3A : f32 to vector<16xf32>
    %select_n3A = arith.select %eq3A_117, %div3A_112, %broadcast_in_dim3A_118 : vector<16xi1>, vector<16xf32>
    %select_n3A_119 = arith.select %eq3A_114, %mul3A_91, %select_n3A : vector<16xi1>, vector<16xf32>
    %swap3A_120 = arith.constant 0 : i32
    %swap3A_121 = arith.index_cast %swap3A_120 : i32 to index
    %swap3A_122 = arith.constant 0 : index
    %swap3A_123 = tpu.vector_load %arg11[%swap3A_121, %swap3A_122] {strides = array<i32>} : memref<4x16xf32, #tpu.memory_space<vmem>>, vector<1x16xf32>,
    %swap3A_124 = vector.shape_cast %swap3A_123 : vector<1x16xf32> to vector<16xf32>
    %swap3A_125 = vector.shape_cast %select_n3A_119 : vector<16xf32> to vector<1x16xf32>
    tpu.vector_store %arg11[%swap3A_121, %swap3A_122], %swap3A_125 {strides = array<i32>} : memref<4x16xf32, #tpu.memory_space<vmem>>, vector<1x16xf32>,
    %eq3A_126 = arith.constant 0 : i32
    %eq3A_127 = arith.cmpi eq, %arg1, %eq3A_126 : i32
    %convert_element_type3A = arith.extui %eq3A_127 : i1 to i32
    %cond3A = arith.constant 0 : i32
    %cond3A_128 = arith.cmpi ne, %convert_element_type3A, %cond3A : i32
    scf.if %cond3A_128 {
      %run_scoped3A = arith.constant 0 : i32
      "tpu.region"() ({
        %run_scoped3A_129 = tpu.sem_alloc : memref<!tpu.dma_semaphore, #tpu.memory_space<semaphore_mem>>
        %dma_start3A = arith.constant 0 : i32
        %dma_start3A_130 = tpu.memref_slice %arg11[%run_scoped3A, %dma_start3A] : memref<4x16xf32, #tpu.memory_space<vmem>> -> memref<1x16xf32, #tpu.memory_space<vmem>>
        %dma_start3A_131 = tpu.memref_squeeze %dma_start3A_130 : memref<1x16xf32, #tpu.memory_space<vmem>> -> memref<16xf32, #tpu.memory_space<vmem>>
        %dma_start3A_132 = arith.constant 0 : i32
        %dma_start3A_133 = tpu.memref_slice %arg11[%run_scoped3A, %dma_start3A_132] : memref<4x16xf32, #tpu.memory_space<vmem>> -> memref<1x16xf32, #tpu.memory_space<vmem>>
        %dma_start3A_134 = tpu.memref_squeeze %dma_start3A_133 : memref<1x16xf32, #tpu.memory_space<vmem>> -> memref<16xf32, #tpu.memory_space<vmem>>
        tpu.enqueue_dma source(%dma_start3A_134 : memref<16xf32, #tpu.memory_space<vmem>>) target(%arg5 : memref<16xf32, #tpu.memory_space<hbm>>) target_semaphore(%run_scoped3A_129 : memref<!tpu.dma_semaphore, #tpu.memory_space<semaphore_mem>>)
        %dma_wait3A = arith.constant 0 : i32
        %dma_wait3A_135 = tpu.memref_slice %arg11[%run_scoped3A, %dma_wait3A] : memref<4x16xf32, #tpu.memory_space<vmem>> -> memref<1x16xf32, #tpu.memory_space<vmem>>
        %dma_wait3A_136 = tpu.memref_squeeze %dma_wait3A_135 : memref<1x16xf32, #tpu.memory_space<vmem>> -> memref<16xf32, #tpu.memory_space<vmem>>
        %dma_wait3A_137 = arith.constant 0 : i32
        %dma_wait3A_138 = tpu.memref_slice %arg11[%run_scoped3A, %dma_wait3A_137] : memref<4x16xf32, #tpu.memory_space<vmem>> -> memref<1x16xf32, #tpu.memory_space<vmem>>
        %dma_wait3A_139 = tpu.memref_squeeze %dma_wait3A_138 : memref<1x16xf32, #tpu.memory_space<vmem>> -> memref<16xf32, #tpu.memory_space<vmem>>
        tpu.wait_dma2 semaphore(%run_scoped3A_129 : memref<!tpu.dma_semaphore, #tpu.memory_space<semaphore_mem>>) src(%dma_wait3A_139 : memref<16xf32, #tpu.memory_space<vmem>>) dst(%arg5 : memref<16xf32, #tpu.memory_space<hbm>>)
        tpu.yield
      }) : () -> ()
    } else {
    }
    return
  }
}

module attributes {stable_mosaic.version = 14 : i64} {
  func.func @_logits_block(%arg0: i32, %arg1: memref<1024x2048xf32, #tpu.memory_space<vmem>>, %arg2: memref<16x2048xf32, #tpu.memory_space<vmem>>, %arg3: memref<1024x16xf32, #tpu.memory_space<vmem>>) attributes {dimension_semantics = [#tpu.dimension_semantics<arbitrary>], iteration_bounds = array<i64: 8>, scalar_prefetch = 0 : i64, scratch_operands = 0 : i64, tpu.core_type = #tpu.core_type<tc>, window_params = [{transform_indices = @transform_0, window_bounds = array<i64: 1024, 2048>}, {pipeline_mode = #tpu.pipeline_mode<synchronous>, transform_indices = @transform_1, window_bounds = array<i64: 16, 2048>}, {transform_indices = @transform_2, window_bounds = array<i64: 1024, 16>}]} {
    %get3A = arith.constant 0 : index
    %get3A_0 = arith.constant 0 : index
    %get3A_1 = vector.load %arg1[%get3A, %get3A_0] : memref<1024x2048xf32, #tpu.memory_space<vmem>>, vector<1024x2048xf32>
    %get3A_2 = arith.constant 0 : index
    %get3A_3 = arith.constant 0 : index
    %get3A_4 = vector.load %arg2[%get3A_2, %get3A_3] : memref<16x2048xf32, #tpu.memory_space<vmem>>, vector<16x2048xf32>
    %dot_general3A = arith.constant dense<0.000000e+00> : vector<1024x16xf32>
    %dot_general3A_5 = tpu.matmul %get3A_1, %get3A_4, %dot_general3A {dimension_numbers = #tpu.dot_dimension_numbers<[1], [1], [0], [0], [0, 0, 1, 0], [], []>, transpose_lhs_hint = false} : vector<1024x2048xf32>, vector<16x2048xf32>, vector<1024x16xf32> -> vector<1024x16xf32>
    %swap3A = arith.constant 0 : index
    %swap3A_6 = arith.constant 0 : index
    %swap3A_7 = vector.load %arg3[%swap3A, %swap3A_6] : memref<1024x16xf32, #tpu.memory_space<vmem>>, vector<1024x16xf32>
    tpu.vector_store %arg3[%swap3A, %swap3A_6], %dot_general3A_5 {strides = array<i32>} : memref<1024x16xf32, #tpu.memory_space<vmem>>, vector<1024x16xf32>,
    return
  }
  func.func @transform_0(%arg0: i32) -> (i32, i32) {
    %c0_i32 = arith.constant 0 : i32
    %c0_i32_0 = arith.constant 0 : i32
    return %arg0, %c0_i32 : i32, i32
  }
  func.func @transform_1(%arg0: i32) -> (i32, i32) {
    %c0_i32 = arith.constant 0 : i32
    %c0_i32_0 = arith.constant 0 : i32
    %c0_i32_1 = arith.constant 0 : i32
    return %c0_i32, %c0_i32_0 : i32, i32
  }
  func.func @transform_2(%arg0: i32) -> (i32, i32) {
    %c0_i32 = arith.constant 0 : i32
    %c0_i32_0 = arith.constant 0 : i32
    return %arg0, %c0_i32 : i32, i32
  }
}

</mosaic_0001>

<sc_bundles>
// kernel: kernel.4.cloned.1.call-start
scs
__scs_entry_jumppad:
0x0: {  	(pc) =	sbr.rel $0x88, $3  }
0x1: {  	(tag) =	ssettag $0x0;
	lr =	simm.s32 $0x1  }
0x2: {  	[smem:$0x3F9F] =	sst lr;
	_ =	strace $0xD0000000  }
0x3: {  	_ = 	snop  }
0x4: {  	_ = 	snop  }
0x5: {  	_ = 	snop  }
0x6: {  	_ = 	snop  }
0x7: {  	_ = 	snop  }
__scs_overlays_trampoline_lowered:
0x8: {  	[smem:$0x3FAE] =	sst s0  }
0x9: {  	[smem:$0x3FAF] =	sst s1  }
0xa: {  	[smem:$0x3FB0] =	sst s2  }
0xb: {  	[smem:$0x3FB1] =	sst s3  }
0xc: {  	[smem:$0x3FB2] =	sst s4  }
0xd: {  	[smem:$0x3FB3] =	sst s5  }
0xe: {  	[smem:$0x3FB4] =	sst s6  }
0xf: {  	[smem:$0x3FB5] =	sst s7  }
0x10: {  	[smem:$0x3FB6] =	sst s8  }
0x11: {  	[smem:$0x3FB7] =	sst s9;
	s0 =	simm.s32 @!p0 $0x0  }
0x12: {  	s1 =	sld [smem:$0x3F9D];
	s0 =	simm.s32 @p0 $0x1  }
0x13: {  	[smem:$0x3FB8] =	sst s0;
	s0 =	simm.s32 @!p1 $0x0  }
0x14: {  	s2 =	sld [smem:$0x3F9C];
	s0 =	simm.s32 @p1 $0x1  }
0x15: {  	[smem:$0x3FB9] =	sst s0;
	s0 =	simm.s32 @!p2 $0x0  }
0x16: {  	s3 =	sld [smem:$0x3FDB];
	s0 =	simm.s32 @p2 $0x1  }
0x17: {  	s4 =	simm.s32 $0x1BF5;
	[smem:$0x3FBB] =	sst s0  }
0x18: {  	s0 =	sld [smem:$0x3F9E];
	_ =	swait.ge [sflag:s4], $0x0  }
0x19: {  	s7 =	sld [smem:$0x3F9F]  }
0x1a: {  	s8 =	sadd.s32 $0xFFFFE003, lr  }
0x1b: {  	s9 =	sadd.s32 $0xFFFFFEF7, lr;
	s5 =	simm.s32 $0xFFFFFFFF;
	p2 =	slt.u32 s8, $0xFFFFF086  }
0x1c: {  	p1 =	slt.u32 s9, $0xF7A;
	s5 =	simm.s32 @!p2 $0x0  }
0x1d: {  	s5 =	simm.s32 @p1 $0x1;
	p0 =	seq.s32 s7, s2  }
0x1e: {  	s7 =	smul.u32 @!p0 $0xF7A, s2;
	p2 =	seq.s32 @!p0 s5, $0x0  }
0x1f: {  	s9 =	smul.u32 $0xF7A, s1;
	s8 =	simm.s32 @!p0 $0x1BF5;
	p2 =	por !p2, p0  }
0x20: {  	[sflag:s8] =	ssyncset.s32 @!p0 $0xFFFFF086;
	s6 =	sadd.s32 @!p0 s3, s7;
	s7 =	simm.s32 @!p0 $0x108  }
0x21: {  	s3 =	sadd.s32 s3, s9;
	s6 =	sadd.s32 @!p0 $0x88, s6;
	s7 =	simm.s32 @p2 $0x1082  }
0x22: {  	[simem:s7], [sflag:s8] =	dma.local @!p0 [hbm:s6], $0xF7A  }
0x23: {  	s9 =	sor.u32 $0xD0000000, s2;
	s6 =	simm.s32 $0x108;
	_ =	swait.ge @!p0 [sflag:s8], $0x0  }
0x24: {  	s3 =	sadd.s32 $0x88, s3;
	s6 =	simm.s32 @!p1 $0x1082;
	[sflag:s4] =	ssyncset.s32 $0xFFFFF086  }
0x25: {  	[simem:s6], [sflag:s4] =	dma.local [hbm:s3], $0xF7A  }
0x26: {  	[smem:$0x3F9F] =	sst s1;
	(tag) =	ssettag s2;
	_ =	strace s9  }
0x27: {  	s1 =	sld [smem:$0x3FAF]  }
0x28: {  	s2 =	sld [smem:$0x3FB0]  }
0x29: {  	s4 =	sld [smem:$0x3FB2]  }
0x2a: {  	p0 =	seq.s32 s5, $0x0;
	s5 =	sld [smem:$0x3FB3]  }
0x2b: {  	s6 =	sld [smem:$0x3FB4]  }
0x2c: {  	s7 =	sld [smem:$0x3FB5]  }
0x2d: {  	s3 =	simm.s32 $0x108;
	s8 =	sld [smem:$0x3FB6]  }
0x2e: {  	s3 =	simm.s32 @!p0 $0x1082;
	s9 =	sld [smem:$0x3FB7]  }
0x2f: {  	lr =	sadd.s32 s0, s3;
	s0 =	sld [smem:$0x3FAE]  }
0x30: {  	s3 =	sld [smem:$0x3FB1]  }
0x31: {  	[smem:$0x3FBA] =	sst s10  }
0x32: {  	s10 =	sld [smem:$0x3FB8];
	_ =	sdelay $0x3  }
0x33: {  	p0 =	seq.s32 s10, $0x1;
	s10 =	sld [smem:$0x3FBA];
	_ =	sdelay $0x3  }
0x34: {  	[smem:$0x3FBA] =	sst s10  }
0x35: {  	s10 =	sld [smem:$0x3FB9];
	_ =	sdelay $0x3  }
0x36: {  	p1 =	seq.s32 s10, $0x1;
	s10 =	sld [smem:$0x3FBA];
	_ =	sdelay $0x3  }
0x37: {  	[smem:$0x3FBA] =	sst s10  }
0x38: {  	s10 =	sld [smem:$0x3FBB]  }
0x39: {  	_ = 	snop;
	(pc) =	sbr.ind lr, $3  }
0x3a: {  	_ = 	snop  }
0x3b: {  	_ = 	snop  }
0x3c: {  	p2 =	seq.s32 s10, $0x1;
	s10 =	sld [smem:$0x3FBA]  }
0x3d: {  	_ =	shalt  }
0x3e: {  	_ =	shalt  }
0x3f: {  	_ =	shalt  }
0x40: {  	_ =	shalt  }
0x41: {  	_ =	shalt  }
0x42: {  	_ =	shalt  }
0x43: {  	_ =	shalt  }
0x44: {  	_ =	shalt  }
0x45: {  	_ =	shalt  }
0x46: {  	_ =	shalt  }
0x47: {  	_ =	shalt  }
0x48: {  	_ =	shalt  }
0x49: {  	_ =	shalt  }
0x4a: {  	_ =	shalt  }
0x4b: {  	_ =	shalt  }
0x4c: {  	_ =	shalt  }
0x4d: {  	_ =	shalt  }
0x4e: {  	_ =	shalt  }
0x4f: {  	_ =	shalt  }
0x50: {  	_ =	shalt  }
0x51: {  	_ =	shalt  }
0x52: {  	_ =	shalt  }
0x53: {  	_ =	shalt  }
0x54: {  	_ =	shalt  }
0x55: {  	_ =	shalt  }
0x56: {  	_ =	shalt  }
0x57: {  	_ =	shalt  }
0x58: {  	_ =	shalt  }
0x59: {  	_ =	shalt  }
0x5a: {  	_ =	shalt  }
0x5b: {  	_ =	shalt  }
0x5c: {  	_ =	shalt  }
0x5d: {  	_ =	shalt  }
0x5e: {  	_ =	shalt  }
0x5f: {  	_ =	shalt  }
0x60: {  	_ =	shalt  }
0x61: {  	_ =	shalt  }
0x62: {  	_ =	shalt  }
0x63: {  	_ =	shalt  }
0x64: {  	_ =	shalt  }
0x65: {  	_ =	shalt  }
0x66: {  	_ =	shalt  }
0x67: {  	_ =	shalt  }
0x68: {  	_ =	shalt  }
0x69: {  	_ =	shalt  }
0x6a: {  	_ =	shalt  }
0x6b: {  	_ =	shalt  }
0x6c: {  	_ =	shalt  }
0x6d: {  	_ =	shalt  }
0x6e: {  	_ =	shalt  }
0x6f: {  	_ =	shalt  }
0x70: {  	_ =	shalt  }
0x71: {  	_ =	shalt  }
0x72: {  	_ =	shalt  }
0x73: {  	_ =	shalt  }
0x74: {  	_ =	shalt  }
0x75: {  	_ =	shalt  }
0x76: {  	_ =	shalt  }
0x77: {  	_ =	shalt  }
0x78: {  	_ =	shalt  }
0x79: {  	_ =	shalt  }
0x7a: {  	_ =	shalt  }
0x7b: {  	_ =	shalt  }
0x7c: {  	_ =	shalt  }
0x7d: {  	_ =	shalt  }
0x7e: {  	_ =	shalt  }
0x7f: {  	_ =	shalt  }
0x80: {  	_ =	shalt  }
0x81: {  	_ =	shalt  }
0x82: {  	_ =	shalt  }
0x83: {  	_ =	shalt  }
0x84: {  	_ =	shalt  }
0x85: {  	_ =	shalt  }
0x86: {  	_ =	shalt  }
0x87: {  	_ =	shalt  }
.Lfunc_end0:
.L_simem_size_0:
called_computation_lowered:
.L_overlay_start_0:
0x88: {  	s0 =	sld [smem:$0x3FD9]  }
0x89: {  	s1 =	sld [smem:$0x3FFE];
	_ =	sdelay $0x3  }
0x8a: {  	s0 =	sadd.s32 s1, s0  }
0x8b: {  	[smem:$0x3FC6] =	sst s0  }
0x8c: {  	_ = 	snop  }
0x8d: {  	s0 =	sld [smem:$0x3FD0];
	_ =	sdelay $0x2  }
0x8e: {  	s13 =	simm.s32 $0xA;
	s2 =	simm.s32 $0x10  }
0x8f: {  	[smem:s2], [sflag:s13] =	dma.local [hbm:s0], $0x1  }
0x90: {  	_ =	swait.eq [sflag:s13], $0x1  }
0x91: {  	[sflag:s13] =	ssyncset.done $0x0  }
0x92: {  	s14 =	sld [smem:$0x11];
	[sflag:s13] =	ssyncadd.s32 $0xFFFFFFFF  }
0x93: {  	s15 =	sld [smem:$0x12];
	(tm) =	ssettm $0x1  }
0x94: {  	s16 =	sld [smem:$0x3FFB];
	_ =	sdelay $0x3  }
0x95: {  	_ =	strace s16  }
0x96: {  	s2 =	sld [smem:$0x3FFC];
	_ =	sdelay $0x3  }
0x97: {  	_ =	strace s2  }
0x98: {  	s2 =	sld [smem:$0x3FFD];
	_ =	sdelay $0x3  }
0x99: {  	_ =	strace s2  }
0x9a: {  	_ =	strace $0x8FFFFFFF  }
0x9b: {  	s17 =	sld [smem:$0x3FDB];
	_ =	sdelay $0x1  }
0x9c: {  	s3 =	simm.s32 $_scs_section_size  }
0x9d: {  	s4 =	simm.s32 $_size__tile_overlayer_lowered;
	s5 =	simm.s32 $_tile_overlayer_lowered  }
0x9e: {  	s20 =	simm.s32 $0x1BFF;
	s19 =	sshll.u32 s5, $0x1;
	s2 =	sadd.s32 s3, s17  }
0x9f: {  	s6 =	simm.s32 $0x0;
	s18 =	sshll.u32 s4, $0x1;
	s4 =	sadd.s32 s19, s2  }
0xa0: {  	[timem:s6], [sflag:s20] =	dma.local [hbm:s4], s18  }
0xa1: {  	_ =	swait.ge [sflag:s20], s18  }
0xa2: {  	s3 =	ssub.s32 $0x0, s18;
	[sflag:s20] =	ssyncset.done $0x0  }
0xa3: {  	[sflag:s20] =	ssyncadd.s32 s3;
	_ =	sdelay $0x1  }
0xa4: {  	s21 =	simm.s32 $0x1B8B  }
0xa5: {  	_ =	swait.ge [sflag:s21], $0x1  }
0xa6: {  	[sflag:s21] =	ssyncset.done $0x0  }
0xa7: {  	s23 =	simm.s32 $0x1B8E;
	s22 =	sld [smem:$0x3FFE];
	[sflag:s21] =	ssyncadd.s32 $0xFFFFFFFF  }
0xa8: {  	s24 =	simm.s32 $execute0_lowered;
	[smem:$0x3FD2] =	sst s23  }
0xa9: {  	s4 =	sshll.u32 s24, $0x1;
	_ =	strace $0x80000046;
	[dreg:$0x1] =	wrdreg $0xFFFFFFFF  }
0xaa: {  	s25 =	simm.s32 $_size_execute0_lowered;
	s2 =	sadd.s32 s2, s4;
	[dreg:$0x0] =	wrdreg $0x0  }
0xab: {  	s4 =	sshll.u32 s25, $0x1;
	[dreg:$0x2] =	wrdreg s2  }
0xac: {  	[dreg:$0x3] =	wrdreg s4  }
0xad: {  	[dreg:$0x4] =	wrdreg $0xC0  }
0xae: {  	_ =	task [dreg:s6], $0x5FFFF  }
0xaf: {  	[dreg:$0x1] =	wrdreg $0xFFFFFFFF  }
0xb0: {  	[dreg:$0x0] =	wrdreg $0x60  }
0xb1: {  	[dreg:$0x2] =	wrdreg s14  }
0xb2: {  	[dreg:$0x3] =	wrdreg s22  }
0xb3: {  	[dreg:$0x4] =	wrdreg s15  }
0xb4: {  	[dreg:$0x5] =	wrdreg $0xA4400  }
0xb5: {  	[dreg:$0x6] =	wrdreg $0x9  }
0xb6: {  	_ =	task.clear_ibuf [dreg:s6], $0x7FFFF;
	_ =	strace $0x90000046  }
0xb7: {  	s26 =	simm.s32 $0x9;
	_ =	strace $0x80000048  }
0xb8: {  	_ =	swait.ge [sflag:s26], $0x1  }
0xb9: {  	[sflag:s26] =	ssyncadd.s32 $0xFFFFFFFF  }
0xba: {  	_ =	strace $0x90000048  }
0xbb: {  	_ =	sfence  }
0xbc: {  	s28 =	sld [smem:$0x0];
	_ =	sdelay $0x1  }
0xbd: {  	s29 =	srdreg.scid  }
0xbe: {  	s30 =	sshll.u32 s29, $0xD;
	s31 =	sshrl.u32 s29, $0x2  }
0xbf: {  	s1 =	sand.u32 $0x1, s29;
	s2 =	sand.u32 $0x4000, s30;
	s0 =	sadd.s32 s31, s28  }
0xc0: {  	s1 =	sor.u32 s2, s1;
	s0 =	sshll.u32 s0, $0x11  }
0xc1: {  	s0 =	sor.u32 s0, s1  }
0xc2: {  	s0 =	sadd.s32 $0x8F2B, s0  }
0xc3: {  	[sflag:s0] =	ssyncadd.remote.s32 $0x1  }
0xc4: {  	_ =	sfence.sel $0xFFFF  }
0xc5: {  	[dreg:$0x0] =	wrdreg $0xFFFFFFFF;
	(pc) =	sbr.abs _section_cstart, $3  }
0xc6: {  	[dreg:$0x1] =	wrdreg $0xFFFFFFFF  }
0xc7: {  	_ =	task.clear_ibuf [dreg:s6], $0x2FFFF;
	_ =	strace $0x9FFFFFFF  }
0xc8: {  	(tm) =	ssettm $0x7FFFFFFF  }
0xc9: {  	_ =	shalt  }
tec
execute0_lowered:
.L_overlay_start_1:
0x0: {  	(tag) =	ssettag $0x1  }
0x1: {  	s5 =	rddreg [dreg:$0x0]  }
0x2: {  	s4 =	rddreg [dreg:$0x1]  }
0x3: {  	s1 =	rddreg [dreg:$0x2]  }
0x4: {  	s6 =	rddreg [dreg:$0x3]  }
0x5: {  	s0 =	rddreg [dreg:$0x4];
	s7 =	simm.s32 $0x0;
	s2 =	stileid.u32  }
0x6: {  	[smem:$0x7FF] =	sst s7;
	s3 =	sshll.u32 s2, $0xA  }
0x7: {  	s31 =	simm.s32 $0x1;
	_ =	strace $0x80000047;
	s5 =	sadd.s32 s5, s3  }
0x8: {  	v0 =	vimm.s32 $0xFEDCBA9;
	[tilespmem:s7], [sflag:$0x1] =	stream.linear.gather [hbm4b:s5+s7], $0x2000, $0x38;
	[tilespmem:$0xA480] =	vst v63  }
0x9: {  	v1 =	vimm.s32 $0x87654321;
	v2 =	vimm.s32 $0x10FEDCBA;
	_ =	swait.ge [sflag:s31], $0x2000  }
0xa: {  	v3 =	vimm.s32 $0x98765432;
	v0 =	vunpack.c.l.s4.s8 v0;
	v1 =	vunpack.c.l.s4.s8 v1;
	[sflag:s31] =	ssyncset.done $0x0  }
0xb: {  	v2 =	vunpack.c.l.s4.s8 v2;
	v3 =	vunpack.c.l.s4.s8 v3;
	s7 =	simm.s32 $0x0;
	[sflag:s31] =	ssyncadd.s32 $0xFFFFE000  }
0xc: {  	v0 =	vunpack.c.0.s8.s32 v0;
	v1 =	vunpack.c.0.s8.s32 v1;
	v8 =	vld [tilespmem:s7+$0x0]  }
0xd: {  	v2 =	vunpack.c.0.s8.s32 v2;
	v3 =	vunpack.c.0.s8.s32 v3  }
0xe: {  	v0 =	vcombine.low v1, v0  }
0xf: {  	v1 =	vcombine.low v3, v2;
	v2 =	vimm.s32 $0x3210FEDC;
	v3 =	vimm.s32 $0xBA987654  }
0x10: {  	v6 =	vand.u32 $0xF, v0;
	v0 =	vunpack.c.l.s4.s8 v2;
	v2 =	vunpack.c.l.s4.s8 v3  }
0x11: {  	v4 =	vand.u32 $0xF, v1;
	v1 =	vperm.xlane v8, v6  }
0x12: {  	v3 =	vimm.s32 $0xFEDCBA98;
	v0 =	vunpack.c.0.s8.s32 v0;
	v2 =	vunpack.c.0.s8.s32 v2  }
0x13: {  	v5 =	vimm.s32 $0x76543210;
	v3 =	vunpack.c.l.s4.s8 v3;
	v1 =	vmax.f32 v8, v1  }
0x14: {  	v0 =	vcombine.low v2, v0;
	v2 =	vunpack.c.l.s4.s8 v5;
	v7 =	vperm.xlane v1, v4  }
0x15: {  	v3 =	vunpack.c.0.s8.s32 v3  }
0x16: {  	v5 =	vand.u32 $0xF, v0;
	v0 =	vunpack.c.0.s8.s32 v2;
	v2 =	vmax.f32 v1, v7  }
0x17: {  	v1 =	vand.u32 $0xF, v3;
	v3 =	vperm.xlane v2, v5  }
0x18: {  	v1 =	vcombine.low v1, v0  }
0x19: {  	v0 =	vmax.f32 v2, v3  }
0x1a: {  	v2 =	vperm.xlane v0, v1;
	_ =	sdelay $0x1  }
0x1b: {  	v15 =	vmax.f32 v0, v2  }
0x1c: {  	v0 =	vlaneseq.u32;
	vm0 =	veq.f32 v8, v15  }
0x1d: {  	v2 =	vnsel vm0, $0x10, v0  }
0x1e: {  	v3 =	vperm.xlane v2, v6;
	_ =	sdelay $0x1  }
0x1f: {  	vm0 =	vlt.s32 v2, v3  }
0x20: {  	v2 =	vsel vm0, v2, v3  }
0x21: {  	v3 =	vperm.xlane v2, v4  }
0x22: {  	s8 =	simm.s32 $0x10;
	v7 =	vsub.f32 v8, v15  }
0x23: {  	v14 =	vld [tilespmem:s8+$0x0];
	vm0 =	vlt.s32 v2, v3  }
0x24: {  	v2 =	vsel vm0, v2, v3;
	v3 =	vmul.f32 $1.442695020e+00, v7  }
0x25: {  	v7 =	vperm.xlane v2, v5  }
0x26: {  	(erf) = vpow2.f32 v3  }
0x27: {  	vm0 =	vlt.s32 v2, v7  }
0x28: {  	v3 =	vperm.xlane v14, v6;
	v2 =	vsel vm0, v2, v7  }
0x29: {  	v7 =	vperm.xlane v2, v1  }
0x2a: {  	v3 =	vmax.f32 v14, v3  }
0x2b: {  	v9 =	vperm.xlane v3, v4;
	vm0 =	vlt.s32 v2, v7  }
0x2c: {  	v2 =	vsel vm0, v2, v7  }
0x2d: {  	vm0 =	veq.s32 v2, v0;
	v2 =	vmax.f32 v3, v9  }
0x2e: {  	v9 =	vsel vm0, $0xFF7FC99E, v8;
	v3 =	vperm.xlane v2, v5  }
0x2f: {  	v10 =	vperm.xlane v9, v6;
	v7 =	vpop (erf)  }
0x30: {  	v11 =	vperm.xlane v7, v6;
	v2 =	vmax.f32 v2, v3  }
0x31: {  	v8 =	vmul.f32 v8, v8;
	v10 =	vmax.f32 v9, v10;
	v12 =	vperm.xlane v2, v1  }
0x32: {  	v3 =	vimm.f32 $0.0e+00;
	v13 =	vperm.xlane v10, v4;
	v11 =	vadd.f32 v7, v11  }
0x33: {  	v17 =	vmul.f32 v14, v14;
	v8 =	vadd.f32 v8, v3;
	v16 =	vmax.f32 v2, v12  }
0x34: {  	v2 =	vmax.f32 v10, v13;
	v10 =	vperm.xlane v11, v4;
	vm1 =	veq.f32 v14, v16  }
0x35: {  	v24 =	vnsel vm0, $0x4E6E6B28, v3;
	v12 =	vperm.xlane v2, v5;
	v13 =	vnsel vm1, $0x10, v0  }
0x36: {  	v23 =	vsub.f32 v14, v16;
	v18 =	vperm.xlane v13, v6;
	v10 =	vadd.f32 v11, v10  }
0x37: {  	v11 =	vmax.f32 v2, v12;
	v2 =	vadd.f32 v17, v8;
	v8 =	vsel vm0, $0x3F800000, v3  }
0x38: {  	v12 =	vperm.xlane v11, v1;
	vm0 =	vlt.s32 v13, v18;
	v17 =	vperm.xlane v10, v5  }
0x39: {  	v23 =	vmul.f32 $1.442695020e+00, v23;
	v21 =	vsel vm0, v13, v18  }
0x3a: {  	s9 =	simm.s32 $0x20;
	[tilespmem:s7+$0x2000] =	vst v24;
	v19 =	vmax.f32 v11, v12;
	v22 =	vperm.xlane v21, v4;
	v20 =	vadd.f32 v10, v17  }
0x3b: {  	v13 =	vld [tilespmem:s9+$0x0];
	v11 =	vadd.f32 v8, v3;
	v10 =	vimm.f32 $0.0e+00;
	vm0 =	veq.f32 v9, v19  }
0x3c: {  	v12 =	vimm.f32 $0.0e+00;
	v9 =	vimm.f32 $0.0e+00;
	v17 =	vnsel vm0, $0x10, v0  }
0x3d: {  	s10 =	simm.s32 $0xC0;
	s5 =	sadd.s32 $0x1000, s4;
	s4 =	sadd.s32 $0x5000, s4;
	vm0 =	vlt.s32 v21, v22;
	v24 =	vperm.xlane v20, v1;
	v18 =	vperm.xlane v17, v6  }
.LBB2_1:
0x3e: {  	p0 =	sne.s32 s10, $0x7FC0;
	v21 =	vsel vm0, v21, v22;
	(erf) = vpow2.f32 v23;
	v19 =	vsub.f32 v19, v15;
	v15 =	vmovc v16  }
0x3f: {  	v16 =	vperm.xlane v21, v5;
	v20 =	vadd.f32 v20, v24;
	vm0 =	vlt.s32 v17, v18  }
0x40: {  	v22 =	vperm.xlane v13, v6;
	v17 =	vsel vm0, v17, v18;
	v18 =	vmul.f32 $1.442695020e+00, v19  }
0x41: {  	vm0 =	vlt.s32 v21, v16;
	v19 =	vperm.xlane v17, v4;
	(erf) = vrcp.f32 v20  }
0x42: {  	v20 =	vmul.f32 v13, v13;
	v16 =	vsel vm0, v21, v16;
	(erf) = vpow2.f32 v18  }
0x43: {  	v18 =	vmax.f32 v13, v22;
	v21 =	vperm.xlane v16, v1;
	vm0 =	vlt.s32 v17, v19  }
0x44: {  	v2 =	vadd.f32 v20, v2;
	v20 =	vperm.xlane v18, v4;
	v17 =	vsel vm0, v17, v19  }
0x45: {  	vm0 =	vlt.s32 v16, v21;
	v19 =	vperm.xlane v17, v5  }
0x46: {  	v18 =	vmax.f32 v18, v20;
	v16 =	vsel vm0, v16, v21  }
0x47: {  	v20 =	vperm.xlane v18, v5;
	vm0 =	veq.s32 v16, v0;
	v23 =	vpop (erf);
	vm1 =	vlt.s32 v17, v19  }
0x48: {  	v27 =	vperm.xlane v23, v6;
	v24 =	vsel vm0, $0xFF7FC99E, v14;
	v17 =	vsel vm1, v17, v19;
	v14 =	vmovc v13  }
0x49: {  	v13 =	vmax.f32 v18, v20;
	v18 =	vperm.xlane v24, v6;
	v19 =	vperm.xlane v17, v1  }
0x4a: {  	v21 =	vsel vm0, $0x3F800000, v3;
	v22 =	vnsel vm0, $0x4E6E6B28, v11;
	v20 =	vperm.xlane v13, v1;
	v25 =	vpop (erf)  }
0x4b: {  	v26 =	vadd.f32 v23, v27;
	v18 =	vmax.f32 v24, v18;
	[tilespmem:s8+$0x2000] =	vst v22;
	vm0 =	vlt.s32 v17, v19;
	v16 =	vpop (erf)  }
0x4c: {  	v22 =	vperm.xlane v18, v4;
	v17 =	vsel vm0, v17, v19;
	v19 =	vmul.f32 v16, v25  }
0x4d: {  	v16 =	vmax.f32 v13, v20;
	v13 =	vperm.xlane v26, v4;
	vm0 =	veq.s32 v17, v0  }
0x4e: {  	v17 =	vmax.f32 v18, v22;
	v18 =	vsel vm0, $0x3F800000, v3;
	v19 =	vmax.f32 v19, $1.000000000e-30  }
0x4f: {  	vm1 =	veq.f32 v14, v16;
	v20 =	vperm.xlane v17, v5;
	v19 =	vmul.f32 v18, v19  }
0x50: {  	v11 =	vadd.f32 v21, v11;
	v22 =	vnsel vm1, $0x10, v0;
	v10 =	vadd.f32 v18, v10  }
0x51: {  	v26 =	vadd.f32 v26, v13;
	v18 =	vperm.xlane v22, v6;
	v13 =	vmax.f32 v17, v20;
	[tilespmem:s7+$0x8000] =	vst v19  }
0x52: {  	v19 =	vnsel vm0, $0x4E6E6B28, v12;
	v20 =	vmul.f32 v8, v25;
	v8 =	vmovc v21;
	v12 =	vmovc v10;
	v17 =	vperm.xlane v13, v1  }
.Ltmp0:
0x53: {  	v27 =	vperm.xlane v26, v5;
	vm0 =	vlt.s32 v22, v18;
	v25 =	vmul.f32 v25, v7;
	[tilespmem:s7+$0x4000] =	vst v19;
	(pc) =	sbr.rel @p0 .LBB2_1-.Ltmp0, $4  }
0x54: {  	v28 =	vsub.f32 v14, v16;
	v21 =	vsel vm0, v22, v18;
	v19 =	vmax.f32 v13, v17;
	[tilespmem:s7+$0x6000] =	vst v20;
	s7 =	smov.u32 s8;
	s8 =	smov.u32 s9;
	s9 =	sshra.s32 s10, $0x2  }
0x55: {  	v7 =	vmovc v23;
	v22 =	vperm.xlane v21, v4;
	v20 =	vadd.f32 v26, v27;
	v13 =	vld [tilespmem:s9+$0x0];
	vm0 =	veq.f32 v24, v19  }
0x56: {  	v23 =	vmul.f32 $1.442695020e+00, v28;
	v9 =	vadd.f32 v25, v9;
	v17 =	vnsel vm0, $0x10, v0  }
0x57: {  	s10 =	sadd.s32 $0x40, s10;
	vm0 =	vlt.s32 v21, v22;
	v24 =	vperm.xlane v20, v1;
	v18 =	vperm.xlane v17, v6  }
0x58: {  	_ =	sdelay $0x1  }
0x59: {  	v25 =	vperm.xlane v13, v6;
	_ =	sdelay $0x1  }
0x5a: {  	v25 =	vmax.f32 v13, v25  }
0x5b: {  	v26 =	vperm.xlane v25, v4;
	_ =	sdelay $0x1  }
0x5c: {  	v25 =	vmax.f32 v25, v26  }
0x5d: {  	v26 =	vperm.xlane v25, v5;
	_ =	sdelay $0x1  }
0x5e: {  	v25 =	vmax.f32 v25, v26  }
0x5f: {  	v26 =	vperm.xlane v25, v1;
	_ =	sdelay $0x1  }
0x60: {  	v25 =	vmax.f32 v25, v26  }
0x61: {  	vm1 =	veq.f32 v13, v25  }
0x62: {  	v52 =	vnsel vm1, $0x10, v0  }
0x63: {  	v27 =	vperm.xlane v52, v6  }
0x64: {  	v21 =	vsel vm0, v21, v22  }
0x65: {  	v54 =	vperm.xlane v21, v5;
	vm1 =	vlt.s32 v52, v27  }
0x66: {  	v26 =	vsel vm1, v52, v27  }
0x67: {  	(erf) = vpow2.f32 v23;
	vm12 =	vlt.s32 v21, v54;
	v53 =	vperm.xlane v26, v4  }
0x68: {  	v15 =	vsub.f32 v19, v15;
	v20 =	vadd.f32 v20, v24;
	v21 =	vsel vm12, v21, v54  }
0x69: {  	v56 =	vperm.xlane v21, v1;
	v57 =	vsub.f32 v13, v25;
	vm11 =	vlt.s32 v26, v53  }
0x6a: {  	v15 =	vmul.f32 $1.442695020e+00, v15;
	(erf) = vrcp.f32 v20;
	v55 =	vsel vm11, v26, v53  }
0x6b: {  	v58 =	vmul.f32 $1.442695020e+00, v57;
	vm1 =	vlt.s32 v21, v56;
	v22 =	vperm.xlane v55, v5  }
0x6c: {  	(erf) = vpow2.f32 v15;
	v59 =	vsel vm1, v21, v56  }
0x6d: {  	(erf) = vpow2.f32 v58;
	vm1 =	veq.s32 v59, v0;
	vm0 =	vlt.s32 v55, v22  }
0x6e: {  	v14 =	vsel vm1, $0xFF7FC99E, v14;
	v19 =	vsel vm0, v55, v22  }
0x6f: {  	v61 =	vperm.xlane v14, v6;
	v60 =	vperm.xlane v19, v1;
	_ =	sdelay $0x1  }
0x70: {  	v15 =	vmax.f32 v14, v61;
	vm0 =	vlt.s32 v19, v60  }
0x71: {  	v30 =	vperm.xlane v15, v4;
	v19 =	vsel vm0, v19, v60  }
0x72: {  	v20 =	vpop (erf);
	vm0 =	veq.s32 v19, v0  }
0x73: {  	v33 =	vpop (erf);
	v15 =	vmax.f32 v15, v30;
	v63 =	vsel vm0, $0xFF7FC99E, v13  }
0x74: {  	vm2 =	vlt.s32 v17, v18;
	v35 =	vpop (erf);
	v36 =	vperm.xlane v15, v5;
	v31 =	vperm.xlane v63, v6  }
0x75: {  	v17 =	vsel vm2, v17, v18;
	v62 =	vperm.xlane v20, v6;
	v28 =	vpop (erf)  }
0x76: {  	v39 =	vperm.xlane v28, v6;
	v15 =	vmax.f32 v15, v36;
	v34 =	vmax.f32 v63, v31  }
0x77: {  	v19 =	vadd.f32 v20, v62;
	v40 =	vperm.xlane v15, v1;
	v37 =	vperm.xlane v34, v4  }
0x78: {  	v32 =	vperm.xlane v17, v4;
	v26 =	vadd.f32 v28, v39  }
0x79: {  	v38 =	vperm.xlane v19, v4;
	v15 =	vmax.f32 v15, v40;
	v18 =	vmax.f32 v34, v37  }
0x7a: {  	v42 =	vperm.xlane v26, v4;
	vm13 =	veq.f32 v14, v15;
	v27 =	vperm.xlane v18, v5  }
0x7b: {  	vm2 =	vlt.s32 v17, v32;
	v19 =	vadd.f32 v19, v38;
	v43 =	vnsel vm13, $0x10, v0  }
0x7c: {  	v14 =	vadd.f32 v26, v42;
	v44 =	vperm.xlane v43, v6;
	v18 =	vmax.f32 v18, v27  }
0x7d: {  	v17 =	vsel vm2, v17, v32;
	v41 =	vperm.xlane v19, v5;
	v27 =	vperm.xlane v18, v1  }
0x7e: {  	v29 =	vperm.xlane v17, v5;
	v15 =	vsub.f32 v15, v16;
	v46 =	vperm.xlane v14, v5  }
0x7f: {  	vm4 =	vlt.s32 v43, v44;
	v19 =	vadd.f32 v19, v41;
	v18 =	vmax.f32 v18, v27  }
0x80: {  	v14 =	vadd.f32 v14, v46;
	v49 =	vsel vm4, v43, v44;
	vm15 =	veq.f32 v63, v18  }
0x81: {  	v50 =	vperm.xlane v49, v4;
	v45 =	vperm.xlane v19, v1;
	v47 =	vnsel vm15, $0x10, v0  }
0x82: {  	v51 =	vperm.xlane v14, v1;
	v6 =	vperm.xlane v47, v6  }
0x83: {  	vm14 =	vlt.s32 v17, v29;
	v15 =	vmul.f32 $1.442695020e+00, v15;
	v48 =	vadd.f32 v19, v45  }
0x84: {  	vm6 =	vlt.s32 v49, v50;
	v14 =	vadd.f32 v14, v51;
	vm5 =	vlt.s32 v47, v6  }
0x85: {  	(erf) = vrcp.f32 v48;
	v18 =	vsub.f32 v18, v25;
	v6 =	vsel vm5, v47, v6  }
0x86: {  	v53 =	vsel vm6, v49, v50;
	(erf) = vpow2.f32 v15;
	v4 =	vperm.xlane v6, v4  }
0x87: {  	v17 =	vsel vm14, v17, v29;
	v55 =	vperm.xlane v53, v5;
	v54 =	vmul.f32 $1.442695020e+00, v18  }
0x88: {  	v52 =	vperm.xlane v17, v1;
	(erf) = vrcp.f32 v14;
	vm7 =	vlt.s32 v6, v4  }
0x89: {  	vm9 =	vlt.s32 v53, v55;
	(erf) = vpow2.f32 v54;
	v4 =	vsel vm7, v6, v4  }
0x8a: {  	v56 =	vmul.f32 v35, v33;
	v15 =	vsel vm9, v53, v55;
	v5 =	vperm.xlane v4, v5  }
0x8b: {  	vm8 =	vlt.s32 v17, v52;
	v57 =	vsel vm1, $0x3F800000, v3;
	v58 =	vperm.xlane v15, v1  }
0x8c: {  	v59 =	vnsel vm1, $0x4E6E6B28, v11;
	v6 =	vsel vm8, v17, v52;
	vm10 =	vlt.s32 v4, v5  }
0x8d: {  	vm12 =	vlt.s32 v15, v58;
	vm11 =	veq.s32 v6, v0;
	v4 =	vsel vm10, v4, v5  }
0x8e: {  	v60 =	vpop (erf);
	v6 =	vmax.f32 v56, $1.000000000e-30;
	v5 =	vsel vm11, $0x3F800000, v3;
	v1 =	vperm.xlane v4, v1  }
0x8f: {  	v11 =	vadd.f32 v57, v11;
	v14 =	vsel vm12, v15, v58;
	v61 =	vpop (erf);
	v6 =	vmul.f32 v5, v6  }
0x90: {  	[tilespmem:s8+$0x2000] =	vst v59;
	vm14 =	veq.s32 v14, v0;
	v62 =	vmul.f32 v61, v60;
	vm13 =	vlt.s32 v4, v1  }
0x91: {  	v12 =	vnsel vm11, $0x4E6E6B28, v12;
	[tilespmem:s7+$0x8000] =	vst v6;
	v6 =	vmul.f32 v8, v33;
	v1 =	vsel vm13, v4, v1;
	v4 =	vpop (erf)  }
0x92: {  	[tilespmem:s7+$0x4000] =	vst v12;
	v5 =	vadd.f32 v5, v10;
	v10 =	vmax.f32 v62, $1.000000000e-30;
	v8 =	vsel vm14, $0x3F800000, v3;
	v63 =	vpop (erf)  }
0x93: {  	v10 =	vmul.f32 v8, v10;
	[tilespmem:s7+$0x6000] =	vst v6;
	v6 =	vnsel vm0, $0x4E6E6B28, v11;
	v12 =	vmul.f32 v63, v4  }
0x94: {  	v7 =	vmul.f32 v33, v7;
	vm15 =	veq.s32 v1, v0;
	v0 =	vmul.f32 v57, v60;
	[tilespmem:s9+$0x2000] =	vst v6  }
0x95: {  	v6 =	vnsel vm14, $0x4E6E6B28, v5;
	v1 =	vsel vm15, $0x3F800000, v3;
	[tilespmem:s8+$0x8000] =	vst v10;
	v10 =	vmax.f32 v12, $1.000000000e-30  }
0x96: {  	v5 =	vadd.f32 v8, v5;
	[tilespmem:s8+$0x4000] =	vst v6;
	v6 =	vmul.f32 v1, v10  }
0x97: {  	v7 =	vadd.f32 v7, v9;
	v3 =	vsel vm0, $0x3F800000, v3;
	v8 =	vmul.f32 v60, v20;
	[tilespmem:s8+$0x6000] =	vst v0  }
0x98: {  	v0 =	vnsel vm15, $0x4E6E6B28, v5;
	[tilespmem:s9+$0x8000] =	vst v6;
	v6 =	vmul.f32 v3, v4  }
0x99: {  	v7 =	vadd.f32 v8, v7;
	[tilespmem:s9+$0x4000] =	vst v0;
	v0 =	vmul.f32 v4, v28;
	v3 =	vadd.f32 v3, v11  }
0x9a: {  	v1 =	vadd.f32 v1, v5;
	v4 =	vmul.f32 v13, v13;
	[tilespmem:s9+$0x6000] =	vst v6  }
0x9b: {  	v0 =	vadd.f32 v0, v7;
	[tilespmem:$0xA000] =	vst v3  }
0x9c: {  	v2 =	vadd.f32 v4, v2;
	[tilespmem:$0xA010] =	vst v1  }
0x9d: {  	s26 =	sshll.u32 s2, $0x6;
	[tilespmem:$0xA020] =	vst v0  }
0x9e: {  	s28 =	simm.s32 $0xA000;
	s29 =	simm.s32 $0x1;
	s7 =	sadd.s32 s26, s6;
	[tilespmem:$0xA030] =	vst v2  }
0x9f: {  	[spmem:s7] =	stream.linear.scatter [tilespmem:s28], [sflag:$0x1], $0x40, $0x38;
	[tilespmem:$0xA480] =	vst v63  }
0xa0: {  	_ =	swait.ge [sflag:s29], $0x40  }
0xa1: {  	[sflag:s29] =	ssyncset.done $0x0  }
0xa2: {  	[sflag:s29] =	ssyncadd.s32 $0xFFFFFFC0  }
0xa3: {  	s30 =	simm.s32 $0xA040;
	[bflag:$0x0] =	sbarrier.arrive $0xFFFF  }
0xa4: {  	[tilespmem:s30], [sflag:$0x1] =	stream.linear.gather [spmem:s6], $0x400, $0x38;
	[tilespmem:$0xA480] =	vst v63  }
0xa5: {  	_ =	swait.ge [sflag:s29], $0x400  }
0xa6: {  	[sflag:s29] =	ssyncset.done $0x0  }
0xa7: {  	s31 =	simm.s32 $0xA060;
	[sflag:s29] =	ssyncadd.s32 $0xFFFFFC00  }
0xa8: {  	v1 =	vld [tilespmem:s31+$0xFFFFFFF0]  }
0xa9: {  	v4 =	vld [tilespmem:s31+$0xFFFFFFE0]  }
0xaa: {  	v6 =	vld [tilespmem:s31+$0x0]  }
0xab: {  	p0 =	sgt.u32 s2, $0x0;
	s8 =	simm.f32 $1.000000000e+00;
	v7 =	vld [tilespmem:s31+$0x10]  }
0xac: {  	v9 =	vimm.f32 $0.0e+00;
	s8 =	simm.s32 @!p0 $0x0;
	v8 =	vimm.f32 $0.0e+00;
	v0 =	vimm.f32 $0.0e+00  }
0xad: {  	v2 =	vimm.f32 $0.0e+00;
	s7 =	simm.s32 $0xA0A0;
	s6 =	simm.s32 $0x1;
	v3 =	vmul.f32 s8, v1;
	v1 =	vimm.f32 $0.0e+00  }
.LBB2_3:
0xae: {  	v5 =	vld [tilespmem:s7+$0xFFFFFFF0];
	p0 =	sne.s32 s6, $0xF;
	v10 =	vmul.f32 s8, v4;
	v0 =	vadd.f32 v4, v0;
	s8 =	smov.u32 s6;
	s6 =	sadd.s32 $0x1, s6  }
.Ltmp1:
0xaf: {  	v4 =	vld [tilespmem:s7+$0xFFFFFFE0];
	v1 =	vadd.f32 v3, v1;
	v9 =	vadd.f32 v6, v9;
	(pc) =	sbr.rel @p0 .LBB2_3-.Ltmp1, $4  }
0xb0: {  	v6 =	vld [tilespmem:s7+$0x0];
	v2 =	vadd.f32 v10, v2;
	v8 =	vadd.f32 v7, v8  }
0xb1: {  	p1 =	slt.u32 s8, s2;
	s8 =	simm.f32 $1.000000000e+00;
	v7 =	vld [tilespmem:s7+$0x10]  }
0xb2: {  	s8 =	simm.s32 @!p1 $0x0  }
0xb3: {  	s7 =	sadd.s32 $0x40, s7;
	v3 =	vmul.f32 s8, v5  }
0xb4: {  	s7 =	simm.s32 $0x0  }
0xb5: {  	v5 =	vld [tilespmem:s7+$0x2000]  }
0xb6: {  	v10 =	vmul.f32 s8, v4  }
0xb7: {  	v11 =	vld [tilespmem:s7+$0x4000]  }
0xb8: {  	v2 =	vadd.f32 v10, v2  }
0xb9: {  	v1 =	vadd.f32 v3, v1;
	v3 =	vld [tilespmem:s7+$0x6000]  }
0xba: {  	v10 =	vadd.f32 v5, v2;
	v5 =	vadd.f32 v4, v0;
	v4 =	vld [tilespmem:s7+$0x8000];
	_ =	sdelay $0x1  }
0xbb: {  	s6 =	simm.s32 $0x10;
	v0 =	vadd.f32 v7, v8;
	v8 =	vadd.f32 v11, v1  }
0xbc: {  	s8 =	simm.s32 $0x80;
	v6 =	vadd.f32 v6, v9;
	v7 =	vld [tilespmem:s6+$0x2000];
	vm0 =	vlt.f32 v10, $1.280000000e+03  }
.LBB2_5:
0xbd: {  	p0 =	sne.s32 s8, $0x7FC0;
	v9 =	vld [tilespmem:s6+$0x4000];
	vm1 =	vlt.f32 v8, $1.280000000e+03;
	v3 =	vnsel vm0, $0x0, v3  }
0xbe: {  	[tilespmem:s7+$0x6000] =	vst v3;
	v4 =	vnsel vm1, $0x0, v4  }
.Ltmp2:
0xbf: {  	v3 =	vld [tilespmem:s6+$0x6000];
	[tilespmem:s7+$0x8000] =	vst v4;
	s7 =	smov.u32 s6;
	(pc) =	sbr.rel @p0 .LBB2_5-.Ltmp2, $4  }
0xc0: {  	v4 =	vld [tilespmem:s7+$0x8000]  }
0xc1: {  	v10 =	vadd.f32 v7, v2  }
0xc2: {  	s6 =	sshra.s32 s8, $0x2;
	v8 =	vadd.f32 v9, v1  }
0xc3: {  	s8 =	sadd.s32 $0x40, s8;
	v7 =	vld [tilespmem:s6+$0x2000];
	vm0 =	vlt.f32 v10, $1.280000000e+03  }
0xc4: {  	v9 =	vimm.f32 $8.192000000e+03  }
0xc5: {  	(erf) = vrcp.f32 v9;
	_ =	sdelay $0x5  }
0xc6: {  	v38 =	vimm.s32 $0xFEDCBA9;
	v10 =	vimm.s32 $0x87654321;
	v39 =	vimm.s32 $0x10FEDCBA  }
0xc7: {  	v13 =	vimm.s32 $0x98765432;
	v9 =	vunpack.c.l.s4.s8 v38;
	v10 =	vunpack.c.l.s4.s8 v10  }
0xc8: {  	vm1 =	vlt.f32 v8, $1.280000000e+03;
	v3 =	vnsel vm0, $0x0, v3;
	v40 =	vunpack.c.l.s4.s8 v39  }
0xc9: {  	v41 =	vunpack.c.l.s4.s8 v13;
	v9 =	vunpack.c.0.s8.s32 v9;
	v10 =	vunpack.c.0.s8.s32 v10;
	v11 =	vpop (erf)  }
0xca: {  	v46 =	vimm.s32 $0x3210FEDC;
	v6 =	vmul.f32 v6, v11;
	v5 =	vmul.f32 v5, v11  }
0xcb: {  	v43 =	vunpack.c.0.s8.s32 v40;
	v44 =	vunpack.c.0.s8.s32 v41;
	v42 =	vcombine.low v10, v9  }
0xcc: {  	v47 =	vimm.s32 $0xBA987654;
	v8 =	vunpack.c.l.s4.s8 v46;
	v5 =	vmul.f32 v6, v5  }
0xcd: {  	v2 =	vadd.f32 v7, v2;
	v7 =	vcombine.low v44, v43;
	v6 =	vand.u32 $0xF, v42  }
0xce: {  	v48 =	vimm.f32 $1.310720000e+05;
	v45 =	vperm.xlane v5, v6;
	v6 =	vperm.xlane v0, v6  }
0xcf: {  	v12 =	vld [tilespmem:s6+$0x4000];
	v4 =	vnsel vm1, $0x0, v4;
	v51 =	vunpack.c.0.s8.s32 v8;
	v9 =	vunpack.c.l.s4.s8 v47  }
0xd0: {  	vm12 =	vlt.f32 v2, $1.280000000e+03;
	v50 =	vand.u32 $0xF, v7;
	v0 =	vadd.f32 v6, v0  }
0xd1: {  	[tilespmem:s7+$0x6000] =	vst v3;
	v52 =	vunpack.c.0.s8.s32 v9;
	(erf) = vrcp.f32 v48;
	v2 =	vadd.f32 v45, v5  }
0xd2: {  	v55 =	vimm.s32 $0xFEDCBA98;
	v56 =	vimm.s32 $0x76543210;
	v49 =	vld [tilespmem:s6+$0x6000];
	[tilespmem:s7+$0x8000] =	vst v4;
	v4 =	vperm.xlane v0, v50  }
0xd3: {  	v53 =	vld [tilespmem:s6+$0x8000];
	v9 =	vunpack.c.l.s4.s8 v55;
	v5 =	vcombine.low v52, v51;
	v54 =	vperm.xlane v2, v50  }
0xd4: {  	v57 =	vunpack.c.l.s4.s8 v56;
	v1 =	vadd.f32 v12, v1;
	v0 =	vadd.f32 v4, v0  }
0xd5: {  	v59 =	vunpack.c.0.s8.s32 v9;
	v58 =	vand.u32 $0xF, v5;
	v2 =	vadd.f32 v54, v2  }
0xd6: {  	vm13 =	vlt.f32 v1, $1.280000000e+03;
	v1 =	vunpack.c.0.s8.s32 v57;
	v60 =	vperm.xlane v0, v58  }
0xd7: {  	v3 =	vnsel vm12, $0x0, v49;
	v5 =	vand.u32 $0xF, v59;
	v4 =	vperm.xlane v2, v58  }
0xd8: {  	s5 =	sadd.s32 s5, s3;
	[tilespmem:s6+$0x6000] =	vst v3;
	v61 =	vnsel vm13, $0x0, v53;
	v1 =	vcombine.low v5, v1;
	v0 =	vadd.f32 v60, v0  }
0xd9: {  	s26 =	simm.s32 $0x0;
	s28 =	simm.s32 $0x6000;
	s29 =	simm.s32 $0x1;
	[tilespmem:s6+$0x8000] =	vst v61;
	v2 =	vadd.f32 v4, v2  }
0xda: {  	[hbm4b:s5+s26] =	stream.linear.scatter [tilespmem:s28], [sflag:$0x1], $0x2000, $0x38;
	v62 =	vpop (erf);
	v63 =	vperm.xlane v0, v1;
	[tilespmem:$0xA480] =	vst v63  }
0xdb: {  	_ =	swait.ge [sflag:s29], $0x2000;
	v1 =	vperm.xlane v2, v1  }
0xdc: {  	[sflag:s29] =	ssyncset.done $0x0;
	v0 =	vadd.f32 v63, v0  }
0xdd: {  	s30 =	sadd.s32 s4, s3;
	s31 =	simm.s32 $0x8000;
	[sflag:s29] =	ssyncadd.s32 $0xFFFFE000;
	v1 =	vadd.f32 v1, v2  }
0xde: {  	[hbm4b:s30+s26] =	stream.linear.scatter [tilespmem:s31], [sflag:$0x1], $0x2000, $0x38;
	v0 =	vmul.f32 v0, v62;
	[tilespmem:$0xA480] =	vst v63  }
0xdf: {  	vm14 =	vcmask $0x3F08;
	_ =	swait.ge [sflag:s29], $0x2000;
	v1 =	vmul.f32 $1.600000000e+01, v1  }
0xe0: {  	vm15 =	vmmov $0x1;
	[sflag:s29] =	ssyncset.done $0x0;
	v0 =	vsel vm14, $0x0, v0  }
0xe1: {  	[sflag:s29] =	ssyncadd.s32 $0xFFFFE000;
	v0 =	vsel vm15, v1, v0  }
0xe2: {  	p0 =	sne.s32 s2, $0x0;
	[tilespmem:$0xA000] =	vst v0  }
0xe3: {  	_ =	sfence.sel @p0 $0x180000  }
0xe4: {  	[bflag:$0x0] =	sbarrier.arrive @p0 $0xFFFF  }
0xe5: {  	_ =	strace @p0 $0x90000047  }
0xe6: {  	s2 =	simm.s32 @!p0 $0x0;
	s3 =	simm.s32 @!p0 $0xA000;
	[bflag:$0x2] =	sbarrier.arrive @p0 $0xFFFF  }
0xe7: {  	[hbm4b:s1+s2] =	stream.linear.scatter @!p0 [tilespmem:s3], [sflag:$0x1], $0x10, $0x38;
	[tilespmem:$0xA480] =	vst v63  }
0xe8: {  	s1 =	simm.s32 @!p0 $0x1  }
0xe9: {  	_ =	swait.ge @!p0 [sflag:s1], $0x10  }
0xea: {  	[sflag:s1] =	ssyncset.done @!p0 $0x0  }
0xeb: {  	[sflag:s1] =	ssyncadd.s32 @!p0 $0xFFFFFFF0  }
0xec: {  	_ =	sfence.sel @!p0 $0x180000  }
0xed: {  	[bflag:$0x0] =	sbarrier.arrive @!p0 $0xFFFF  }
0xee: {  	_ =	strace @!p0 $0x90000047  }
0xef: {  	s0 =	sadd.s32 @!p0 $0x100000, s0;
	[bflag:$0x2] =	sbarrier.arrive @!p0 $0xFFFF  }
0xf0: {  	[sflag:s0] =	ssyncadd.tile.s32 @!p0 $0x1;
	_ =	shalt  }
.Lfunc_end2:
_tile_overlayer_lowered:
.L_overlay_start_2:
0xf1: {  	(tag) =	ssettag $0x2  }
0xf2: {  	s0 =	rddreg [dreg:$0x0];
	s2 =	stileid.u32  }
0xf3: {  	s1 =	rddreg [dreg:$0x1];
	p0 =	sne.s32 s2, $0x0  }
0xf4: {  	s3 =	rddreg [dreg:$0x2];
	[bflag:$0x3] =	sbarrier.arrive $0xFFFF;
	s2 =	simm.s32 @!p0 $0x1C01  }
0xf5: {  	[timem:s3], [sflag:s2] =	dma.local @!p0 [hbm:s0], s1  }
0xf6: {  	s0 =	simm.s32 @!p0 $0x1  }
0xf7: {  	_ =	swait.ge @!p0 [sflag:s0], s1  }
0xf8: {  	s1 =	ssub.s32 @!p0 $0x0, s1;
	[sflag:s0] =	ssyncset.done @!p0 $0x0  }
0xf9: {  	[sflag:s0] =	ssyncadd.s32 @!p0 s1  }
0xfa: {  	[bflag:$0x3] =	sbarrier.arrive $0xFFFF  }
0xfb: {  	_ =	shalt  }

</sc_bundles>
